<compile_context>
chip_gen: v7x
topology: tpu7x:2x2x1
jax: 0.10.2.dev20260603
libtpu: 0.0.44.dev20260713+nightly
codegen_flags: <defaults>
</compile_context>

<pallas_src>
import functools

import jax
import jax.numpy as jnp
from jax import lax
from jax.experimental import pallas as pl
from jax.experimental.pallas import tpu as pltpu
from jax.experimental.pallas import tpu_sc as plsc

B = 16384
F = 100
D0, D1, D2 = 64, 1024, 128

NC, NS, L = 2, 16, 16
NW = NC * NS
BPW = B // NW
C = 128
NCHUNK = BPW // C

BN = 1024
KP = 128


def _sc_body(t0, idx_hbm, o0, idxv, c0c, g0, gsem, ssem):
  wid = lax.axis_index("s") * NC + lax.axis_index("c")
  base = wid * BPW

  pltpu.sync_copy(idx_hbm.at[pl.ds(base, BPW)], idxv)

  fvec = jnp.full((L,), F, dtype=jnp.int32)

  def digits(j, s):
    for b in range(C // L):
      v = idxv[pl.ds(j * C + b * L, L)]
      c0c[s, pl.ds(b * L, L)] = lax.rem(v, fvec)

  def gather(s):
    return pltpu.make_async_copy(t0.at[c0c.at[s]], g0.at[s], gsem)

  def scatter(j, s):
    row = base + j * C
    return pltpu.make_async_copy(g0.at[s], o0.at[pl.ds(row, C)], ssem)

  digits(0, 0)
  gather(0).start()

  @pl.loop(0, NCHUNK)
  def chunk(j):
    s = j % 2
    ns = 1 - s

    @pl.when(j + 1 < NCHUNK)
    def _prefetch():
      digits(j + 1, ns)

      @pl.when(j >= 1)
      def _drain_prev_scatter():
        scatter(j - 1, ns).wait()

      gather(ns).start()

    gather(s).wait()
    scatter(j, s).start()

  scatter(NCHUNK - 2, 0).wait()
  scatter(NCHUNK - 1, 1).wait()


def _tc_body(idx_ref, t1_ref, t2_ref, o1_ref, o2_ref):
  idxb = idx_ref[0, 0, :]
  r = lax.div(idxb, F)
  c1 = lax.rem(r, F)
  c2 = lax.div(r, F)
  rows = jax.lax.broadcasted_iota(jnp.int32, (KP, BN), 0)
  oh1 = (rows == c1[None, :]).astype(jnp.float32)
  oh2 = (rows == c2[None, :]).astype(jnp.float32)
  o1_ref[...] = jnp.dot(t1_ref[...], oh1,
                        preferred_element_type=jnp.float32)
  r2 = jnp.dot(t2_ref[...], oh2, preferred_element_type=jnp.float32)
  o2_ref[...] = r2.reshape(D2, BN // 128, 128)


@jax.jit
def _run(t0, t1t, t2t, indices):
  mesh = plsc.VectorSubcoreMesh(core_axis_name="c", subcore_axis_name="s")
  sc_fn = pl.kernel(
      _sc_body,
      mesh=mesh,
      out_type=[
          jax.ShapeDtypeStruct((B, 128), jnp.float32),
      ],
      scratch_types=[
          pltpu.VMEM((BPW,), jnp.int32),
          pltpu.VMEM((2, C), jnp.int32),
          pltpu.VMEM((2, C, 128), jnp.float32),
          pltpu.SemaphoreType.DMA,
          pltpu.SemaphoreType.DMA,
      ],
  )

  o1t, o2t3 = pl.pallas_call(
      _tc_body,
      grid=(B // BN,),
      in_specs=[
          pl.BlockSpec((1, 1, BN), lambda n: (n, 0, 0)),
          pl.BlockSpec((D1, KP), lambda n: (0, 0)),
          pl.BlockSpec((D2, KP), lambda n: (0, 0)),
      ],
      out_specs=[
          pl.BlockSpec((D1, BN), lambda n: (0, n)),
          pl.BlockSpec((D2, BN // 128, 128), lambda n: (0, n, 0)),
      ],
      out_shape=[
          jax.ShapeDtypeStruct((D1, B), jnp.float32),
          jax.ShapeDtypeStruct((D2, B // 128, 128), jnp.float32),
      ],
  )(indices.reshape(B // BN, 1, BN), t1t, t2t)

  (o0,) = sc_fn(t0, indices)
  return o0, o1t, o2t3


def kernel(indices, core0, core1, core2):
  r0 = core0.shape[0]
  r1 = core1.shape[0]
  r2 = core2.shape[0]
  e0, e1, e2 = core0.shape[2], core1.shape[2], core2.shape[2]
  s0, s1, s2 = core0.shape[3], core1.shape[3], core2.shape[3]
  t0 = jnp.pad(jnp.transpose(core0, (1, 0, 2, 3)).reshape(F, D0),
               ((0, 0), (0, 128 - D0)))
  t1t = jnp.pad(core1.reshape(r1, F, e1 * s1).transpose(0, 2, 1)
                .reshape(D1, F), ((0, 0), (0, KP - F)))
  t2t = jnp.pad(core2.reshape(r2, F, e2 * s2).transpose(0, 2, 1)
                .reshape(D2, F), ((0, 0), (0, KP - F)))
  o0, o1t, o2t3 = _run(t0, t1t, t2t, indices)
  out1 = o1t.reshape(r1, e1, s1, B).transpose(3, 0, 1, 2)
  out2 = o2t3.reshape(r2, e2, s2, B).transpose(3, 0, 1, 2)
  return (
      o0[:, :D0].reshape(B, r0, e0, s0),
      out1,
      out2,
  )

# --- scband reference (transcript-rebuilt; emitter-appended) ---
"""Pipeline reference for scband-indexable-core-set-52115133169801 (READ-ONLY COPY).

The authoritative reference and input builder live on the scoring server;
editing this copy changes nothing except your own understanding.
"""

import jax, jax.numpy as jnp
import numpy as np

FACTORS = (100, 100, 100)
EMB_FACS = (4, 4, 8)
RANKS = (1, 16, 16, 1)
BATCH = 16384
VOCAB = 1000000


def setup_inputs(seed: int = 0) -> dict:
    key = jax.random.key(seed)
    ks = jax.random.split(key, 4)
    indices = jax.random.randint(ks[0], (BATCH,), 0, VOCAB, dtype=jnp.int32)
    out = {"indices": indices}
    for i in range(3):
        shape = (RANKS[i], FACTORS[i], EMB_FACS[i], RANKS[i + 1])
        out["core%d" % i] = jax.random.uniform(ks[i + 1], shape, dtype=jnp.float32) * 0.1
    return out


def reference(indices, core0, core1, core2):
    # unmap: mixed-radix decomposition of flat indices using first row of input_facs
    rem = indices
    cols = []
    for f in FACTORS:
        cols.append(rem % f)
        rem = rem // f
    exp = jnp.stack(cols, axis=1)  # [B, 3]
    # createIndexBatch: gather along axis 1 of each core, then swap first two axes
    outs = []
    for i, core in enumerate((core0, core1, core2)):
        g = jnp.take(core, exp[:, i], axis=1)  # [r_i, B, emb_fac_i, r_{i+1}]
        outs.append(jnp.swapaxes(g, 0, 1))     # [B, r_i, emb_fac_i, r_{i+1}]
    return tuple(outs)

if __name__ == "__main__":
    import jax
    _d = setup_inputs()
    print(jax.jit(kernel)(*tuple(_d.values())))

</pallas_src>

<mosaic_0001>
#map = affine_map<(d0, d1) -> (0, 0)>
#map1 = affine_map<(d0, d1) -> (0)>
module attributes {stable_mosaic.version = 14 : i64} {
  func.func @_sc_body(%arg0: i32, %arg1: i32, %arg2: memref<100x128xf32, #tpu.memory_space<hbm>>, %arg3: memref<16384xi32, #tpu.memory_space<hbm>>, %arg4: memref<16384x128xf32, #tpu.memory_space<hbm>>, %arg5: memref<512xi32, #tpu.memory_space<vmem>>, %arg6: memref<2x128xi32, #tpu.memory_space<vmem>>, %arg7: memref<2x128x128xf32, #tpu.memory_space<vmem>>, %arg8: memref<!tpu.dma_semaphore, #tpu.memory_space<semaphore_mem>>, %arg9: memref<!tpu.dma_semaphore, #tpu.memory_space<semaphore_mem>>) attributes {dimension_semantics = [#tpu.dimension_semantics<core_parallel>, #tpu.dimension_semantics<subcore_parallel>], iteration_bounds = array<i64: 2, 16>, scalar_prefetch = 0 : i64, scratch_operands = 5 : i64, tpu.core_type = #tpu.core_type<sc_vector_subcore>, window_params = [{transform_indices = #map}, {transform_indices = #map1}, {transform_indices = #map}]} {
    %mul3A = arith.constant 2 : i32
    %mul3A_0 = arith.muli %arg1, %mul3A : i32
    %add3A = arith.addi %mul3A_0, %arg0 : i32
    %mul3A_1 = arith.constant 512 : i32
    %mul3A_2 = arith.muli %add3A, %mul3A_1 : i32
    "tpu.region"() ({
      %run_scoped3A = tpu.sem_alloc : memref<!tpu.dma_semaphore, #tpu.memory_space<semaphore_mem>>
      %dma_start3A_125 = tpu.memref_slice %arg3[%mul3A_2] : memref<16384xi32, #tpu.memory_space<hbm>> -> memref<512xi32, #tpu.memory_space<hbm>>
      %dma_start3A_126 = tpu.memref_slice %arg3[%mul3A_2] : memref<16384xi32, #tpu.memory_space<hbm>> -> memref<512xi32, #tpu.memory_space<hbm>>
      tpu.enqueue_dma source(%dma_start3A_126 : memref<512xi32, #tpu.memory_space<hbm>>) target(%arg5 : memref<512xi32, #tpu.memory_space<vmem>>) target_semaphore(%run_scoped3A : memref<!tpu.dma_semaphore, #tpu.memory_space<semaphore_mem>>)
      %dma_wait3A_127 = tpu.memref_slice %arg3[%mul3A_2] : memref<16384xi32, #tpu.memory_space<hbm>> -> memref<512xi32, #tpu.memory_space<hbm>>
      %dma_wait3A_128 = tpu.memref_slice %arg3[%mul3A_2] : memref<16384xi32, #tpu.memory_space<hbm>> -> memref<512xi32, #tpu.memory_space<hbm>>
      tpu.wait_dma2 semaphore(%run_scoped3A : memref<!tpu.dma_semaphore, #tpu.memory_space<semaphore_mem>>) src(%dma_wait3A_128 : memref<512xi32, #tpu.memory_space<hbm>>) dst(%arg5 : memref<512xi32, #tpu.memory_space<vmem>>)
      tpu.yield
    }) : () -> ()
    %broadcast_in_dim3A = arith.constant 100 : i32
    %broadcast_in_dim3A_3 = vector.broadcast %broadcast_in_dim3A : i32 to vector<16xi32>
    %get3A = arith.constant 0 : index
    %get3A_4 = tpu.vector_load %arg5[%get3A] {strides = array<i32>} : memref<512xi32, #tpu.memory_space<vmem>>, vector<16xi32>,
    %get3A_5 = vector.shape_cast %get3A_4 : vector<16xi32> to vector<16xi32>
    %rem3A = arith.remsi %get3A_5, %broadcast_in_dim3A_3 : vector<16xi32>
    %swap3A = arith.constant 0 : i32
    %swap3A_6 = arith.index_cast %swap3A : i32 to index
    %swap3A_7 = arith.constant 0 : index
    %swap3A_8 = tpu.vector_load %arg6[%swap3A_6, %swap3A_7] {strides = array<i32>} : memref<2x128xi32, #tpu.memory_space<vmem>>, vector<1x16xi32>,
    %swap3A_9 = vector.shape_cast %swap3A_8 : vector<1x16xi32> to vector<16xi32>
    %swap3A_10 = vector.shape_cast %rem3A : vector<16xi32> to vector<1x16xi32>
    tpu.vector_store %arg6[%swap3A_6, %swap3A_7], %swap3A_10 {strides = array<i32>} : memref<2x128xi32, #tpu.memory_space<vmem>>, vector<1x16xi32>,
    %get3A_11 = arith.constant 16 : index
    %get3A_12 = tpu.vector_load %arg5[%get3A_11] {strides = array<i32>} : memref<512xi32, #tpu.memory_space<vmem>>, vector<16xi32>,
    %get3A_13 = vector.shape_cast %get3A_12 : vector<16xi32> to vector<16xi32>
    %rem3A_14 = arith.remsi %get3A_13, %broadcast_in_dim3A_3 : vector<16xi32>
    %swap3A_15 = arith.constant 0 : i32
    %swap3A_16 = arith.index_cast %swap3A_15 : i32 to index
    %swap3A_17 = arith.constant 16 : index
    %swap3A_18 = tpu.vector_load %arg6[%swap3A_16, %swap3A_17] {strides = array<i32>} : memref<2x128xi32, #tpu.memory_space<vmem>>, vector<1x16xi32>,
    %swap3A_19 = vector.shape_cast %swap3A_18 : vector<1x16xi32> to vector<16xi32>
    %swap3A_20 = vector.shape_cast %rem3A_14 : vector<16xi32> to vector<1x16xi32>
    tpu.vector_store %arg6[%swap3A_16, %swap3A_17], %swap3A_20 {strides = array<i32>} : memref<2x128xi32, #tpu.memory_space<vmem>>, vector<1x16xi32>,
    %get3A_21 = arith.constant 32 : index
    %get3A_22 = tpu.vector_load %arg5[%get3A_21] {strides = array<i32>} : memref<512xi32, #tpu.memory_space<vmem>>, vector<16xi32>,
    %get3A_23 = vector.shape_cast %get3A_22 : vector<16xi32> to vector<16xi32>
    %rem3A_24 = arith.remsi %get3A_23, %broadcast_in_dim3A_3 : vector<16xi32>
    %swap3A_25 = arith.constant 0 : i32
    %swap3A_26 = arith.index_cast %swap3A_25 : i32 to index
    %swap3A_27 = arith.constant 32 : index
    %swap3A_28 = tpu.vector_load %arg6[%swap3A_26, %swap3A_27] {strides = array<i32>} : memref<2x128xi32, #tpu.memory_space<vmem>>, vector<1x16xi32>,
    %swap3A_29 = vector.shape_cast %swap3A_28 : vector<1x16xi32> to vector<16xi32>
    %swap3A_30 = vector.shape_cast %rem3A_24 : vector<16xi32> to vector<1x16xi32>
    tpu.vector_store %arg6[%swap3A_26, %swap3A_27], %swap3A_30 {strides = array<i32>} : memref<2x128xi32, #tpu.memory_space<vmem>>, vector<1x16xi32>,
    %get3A_31 = arith.constant 48 : index
    %get3A_32 = tpu.vector_load %arg5[%get3A_31] {strides = array<i32>} : memref<512xi32, #tpu.memory_space<vmem>>, vector<16xi32>,
    %get3A_33 = vector.shape_cast %get3A_32 : vector<16xi32> to vector<16xi32>
    %rem3A_34 = arith.remsi %get3A_33, %broadcast_in_dim3A_3 : vector<16xi32>
    %swap3A_35 = arith.constant 0 : i32
    %swap3A_36 = arith.index_cast %swap3A_35 : i32 to index
    %swap3A_37 = arith.constant 48 : index
    %swap3A_38 = tpu.vector_load %arg6[%swap3A_36, %swap3A_37] {strides = array<i32>} : memref<2x128xi32, #tpu.memory_space<vmem>>, vector<1x16xi32>,
    %swap3A_39 = vector.shape_cast %swap3A_38 : vector<1x16xi32> to vector<16xi32>
    %swap3A_40 = vector.shape_cast %rem3A_34 : vector<16xi32> to vector<1x16xi32>
    tpu.vector_store %arg6[%swap3A_36, %swap3A_37], %swap3A_40 {strides = array<i32>} : memref<2x128xi32, #tpu.memory_space<vmem>>, vector<1x16xi32>,
    %get3A_41 = arith.constant 64 : index
    %get3A_42 = tpu.vector_load %arg5[%get3A_41] {strides = array<i32>} : memref<512xi32, #tpu.memory_space<vmem>>, vector<16xi32>,
    %get3A_43 = vector.shape_cast %get3A_42 : vector<16xi32> to vector<16xi32>
    %rem3A_44 = arith.remsi %get3A_43, %broadcast_in_dim3A_3 : vector<16xi32>
    %swap3A_45 = arith.constant 0 : i32
    %swap3A_46 = arith.index_cast %swap3A_45 : i32 to index
    %swap3A_47 = arith.constant 64 : index
    %swap3A_48 = tpu.vector_load %arg6[%swap3A_46, %swap3A_47] {strides = array<i32>} : memref<2x128xi32, #tpu.memory_space<vmem>>, vector<1x16xi32>,
    %swap3A_49 = vector.shape_cast %swap3A_48 : vector<1x16xi32> to vector<16xi32>
    %swap3A_50 = vector.shape_cast %rem3A_44 : vector<16xi32> to vector<1x16xi32>
    tpu.vector_store %arg6[%swap3A_46, %swap3A_47], %swap3A_50 {strides = array<i32>} : memref<2x128xi32, #tpu.memory_space<vmem>>, vector<1x16xi32>,
    %get3A_51 = arith.constant 80 : index
    %get3A_52 = tpu.vector_load %arg5[%get3A_51] {strides = array<i32>} : memref<512xi32, #tpu.memory_space<vmem>>, vector<16xi32>,
    %get3A_53 = vector.shape_cast %get3A_52 : vector<16xi32> to vector<16xi32>
    %rem3A_54 = arith.remsi %get3A_53, %broadcast_in_dim3A_3 : vector<16xi32>
    %swap3A_55 = arith.constant 0 : i32
    %swap3A_56 = arith.index_cast %swap3A_55 : i32 to index
    %swap3A_57 = arith.constant 80 : index
    %swap3A_58 = tpu.vector_load %arg6[%swap3A_56, %swap3A_57] {strides = array<i32>} : memref<2x128xi32, #tpu.memory_space<vmem>>, vector<1x16xi32>,
    %swap3A_59 = vector.shape_cast %swap3A_58 : vector<1x16xi32> to vector<16xi32>
    %swap3A_60 = vector.shape_cast %rem3A_54 : vector<16xi32> to vector<1x16xi32>
    tpu.vector_store %arg6[%swap3A_56, %swap3A_57], %swap3A_60 {strides = array<i32>} : memref<2x128xi32, #tpu.memory_space<vmem>>, vector<1x16xi32>,
    %get3A_61 = arith.constant 96 : index
    %get3A_62 = tpu.vector_load %arg5[%get3A_61] {strides = array<i32>} : memref<512xi32, #tpu.memory_space<vmem>>, vector<16xi32>,
    %get3A_63 = vector.shape_cast %get3A_62 : vector<16xi32> to vector<16xi32>
    %rem3A_64 = arith.remsi %get3A_63, %broadcast_in_dim3A_3 : vector<16xi32>
    %swap3A_65 = arith.constant 0 : i32
    %swap3A_66 = arith.index_cast %swap3A_65 : i32 to index
    %swap3A_67 = arith.constant 96 : index
    %swap3A_68 = tpu.vector_load %arg6[%swap3A_66, %swap3A_67] {strides = array<i32>} : memref<2x128xi32, #tpu.memory_space<vmem>>, vector<1x16xi32>,
    %swap3A_69 = vector.shape_cast %swap3A_68 : vector<1x16xi32> to vector<16xi32>
    %swap3A_70 = vector.shape_cast %rem3A_64 : vector<16xi32> to vector<1x16xi32>
    tpu.vector_store %arg6[%swap3A_66, %swap3A_67], %swap3A_70 {strides = array<i32>} : memref<2x128xi32, #tpu.memory_space<vmem>>, vector<1x16xi32>,
    %get3A_71 = arith.constant 112 : index
    %get3A_72 = tpu.vector_load %arg5[%get3A_71] {strides = array<i32>} : memref<512xi32, #tpu.memory_space<vmem>>, vector<16xi32>,
    %get3A_73 = vector.shape_cast %get3A_72 : vector<16xi32> to vector<16xi32>
    %rem3A_74 = arith.remsi %get3A_73, %broadcast_in_dim3A_3 : vector<16xi32>
    %swap3A_75 = arith.constant 0 : i32
    %swap3A_76 = arith.index_cast %swap3A_75 : i32 to index
    %swap3A_77 = arith.constant 112 : index
    %swap3A_78 = tpu.vector_load %arg6[%swap3A_76, %swap3A_77] {strides = array<i32>} : memref<2x128xi32, #tpu.memory_space<vmem>>, vector<1x16xi32>,
    %swap3A_79 = vector.shape_cast %swap3A_78 : vector<1x16xi32> to vector<16xi32>
    %swap3A_80 = vector.shape_cast %rem3A_74 : vector<16xi32> to vector<1x16xi32>
    tpu.vector_store %arg6[%swap3A_76, %swap3A_77], %swap3A_80 {strides = array<i32>} : memref<2x128xi32, #tpu.memory_space<vmem>>, vector<1x16xi32>,
    %dma_start3A = arith.constant 0 : i32
    %dma_start3A_81 = arith.constant 0 : i32
    %dma_start3A_82 = arith.constant 0 : i32
    %dma_start3A_83 = arith.constant 0 : i32
    %dma_start3A_84 = tpu.memref_slice %arg7[%dma_start3A_81, %dma_start3A_82, %dma_start3A_83] : memref<2x128x128xf32, #tpu.memory_space<vmem>> -> memref<1x128x128xf32, #tpu.memory_space<vmem>>
    %dma_start3A_85 = tpu.memref_squeeze %dma_start3A_84 : memref<1x128x128xf32, #tpu.memory_space<vmem>> -> memref<128x128xf32, #tpu.memory_space<vmem>>
    %dma_start3A_86 = arith.constant 0 : i32
    %dma_start3A_87 = tpu.memref_slice %arg6[%dma_start3A, %dma_start3A_86] : memref<2x128xi32, #tpu.memory_space<vmem>> -> memref<1x128xi32, #tpu.memory_space<vmem>>
    %dma_start3A_88 = tpu.memref_squeeze %dma_start3A_87 : memref<1x128xi32, #tpu.memory_space<vmem>> -> memref<128xi32, #tpu.memory_space<vmem>>
    %dma_start3A_89 = arith.constant 0 : i32
    %dma_start3A_90 = arith.constant 0 : i32
    %dma_start3A_91 = tpu.memref_slice %arg2[%dma_start3A_89, %dma_start3A_90] : memref<100x128xf32, #tpu.memory_space<hbm>> -> memref<100x128xf32, #tpu.memory_space<hbm>>
    tpu.enqueue_indirect_dma source(%dma_start3A_91 : memref<100x128xf32, #tpu.memory_space<hbm>>) target(%dma_start3A_85 : memref<128x128xf32, #tpu.memory_space<vmem>>) offsets(%dma_start3A_88 : memref<128xi32, #tpu.memory_space<vmem>>) semaphore(%arg8 : memref<!tpu.dma_semaphore, #tpu.memory_space<semaphore_mem>>)
    %scan3A = arith.constant 0 : i32
    %scan3A_92 = arith.constant 4 : i32
    %scan3A_93 = arith.addi %scan3A, %scan3A_92 : i32
    %scan3A_94 = arith.constant 1 : i32
    scf.for %scan3A_125 = %scan3A to %scan3A_93 step %scan3A_94  : i32 {
      %mul3A_126 = arith.constant 1 : i32
      %mul3A_127 = arith.muli %scan3A_125, %mul3A_126 : i32
      %add3A_128 = arith.constant 0 : i32
      %add3A_129 = arith.addi %add3A_128, %mul3A_127 : i32
      %jit3A = arith.constant 2 : i32
      %eq3A = arith.constant 0 : i32
      %eq3A_130 = arith.cmpi eq, %jit3A, %eq3A : i32
      %jit3A_131 = arith.constant 1 : i32
      %select_n3A = arith.select %eq3A_130, %jit3A_131, %jit3A : i32
      %rem3A_132 = arith.remsi %add3A_129, %select_n3A : i32
      %ne3A = arith.constant 0 : i32
      %ne3A_133 = arith.cmpi ne, %rem3A_132, %ne3A : i32
      %lt3A = arith.constant 0 : i32
      %lt3A_134 = arith.cmpi slt, %rem3A_132, %lt3A : i32
      %lt3A_135 = arith.constant 0 : i32
      %lt3A_136 = arith.cmpi slt, %select_n3A, %lt3A_135 : i32
      %ne3A_137 = arith.xori %lt3A_134, %lt3A_136 : i1
      %and3A = arith.andi %ne3A_137, %ne3A_133 : i1
      %add3A_138 = arith.addi %rem3A_132, %select_n3A : i32
      %select_n3A_139 = arith.select %and3A, %add3A_138, %rem3A_132 : i32
      %sub3A = arith.constant 1 : i32
      %sub3A_140 = arith.subi %sub3A, %select_n3A_139 : i32
      %add3A_141 = arith.constant 1 : i32
      %add3A_142 = arith.addi %add3A_129, %add3A_141 : i32
      %lt3A_143 = arith.constant 4 : i32
      %lt3A_144 = arith.cmpi slt, %add3A_142, %lt3A_143 : i32
      %convert_element_type3A = arith.extui %lt3A_144 : i1 to i32
      %cond3A = arith.constant 0 : i32
      %cond3A_145 = arith.cmpi ne, %convert_element_type3A, %cond3A : i32
      scf.if %cond3A_145 {
        %add3A_171 = arith.constant 1 : i32
        %add3A_172 = arith.addi %add3A_129, %add3A_171 : i32
        %mul3A_173 = arith.constant 128 : i32
        %mul3A_174 = arith.muli %add3A_172, %mul3A_173 : i32
        %add3A_175 = arith.constant 0 : i32
        %add3A_176 = arith.addi %mul3A_174, %add3A_175 : i32
        %get3A_177 = arith.index_cast %add3A_176 : i32 to index
        %get3A_178 = tpu.vector_load %arg5[%get3A_177] {strides = array<i32>} : memref<512xi32, #tpu.memory_space<vmem>>, vector<16xi32>,
        %get3A_179 = vector.shape_cast %get3A_178 : vector<16xi32> to vector<16xi32>
        %rem3A_180 = arith.remsi %get3A_179, %broadcast_in_dim3A_3 : vector<16xi32>
        %swap3A_181 = arith.index_cast %sub3A_140 : i32 to index
        %swap3A_182 = arith.constant 0 : index
        %swap3A_183 = tpu.vector_load %arg6[%swap3A_181, %swap3A_182] {strides = array<i32>} : memref<2x128xi32, #tpu.memory_space<vmem>>, vector<1x16xi32>,
        %swap3A_184 = vector.shape_cast %swap3A_183 : vector<1x16xi32> to vector<16xi32>
        %swap3A_185 = vector.shape_cast %rem3A_180 : vector<16xi32> to vector<1x16xi32>
        tpu.vector_store %arg6[%swap3A_181, %swap3A_182], %swap3A_185 {strides = array<i32>} : memref<2x128xi32, #tpu.memory_space<vmem>>, vector<1x16xi32>,
        %mul3A_186 = arith.constant 128 : i32
        %mul3A_187 = arith.muli %add3A_172, %mul3A_186 : i32
        %add3A_188 = arith.constant 16 : i32
        %add3A_189 = arith.addi %mul3A_187, %add3A_188 : i32
        %get3A_190 = arith.index_cast %add3A_189 : i32 to index
        %get3A_191 = tpu.vector_load %arg5[%get3A_190] {strides = array<i32>} : memref<512xi32, #tpu.memory_space<vmem>>, vector<16xi32>,
        %get3A_192 = vector.shape_cast %get3A_191 : vector<16xi32> to vector<16xi32>
        %rem3A_193 = arith.remsi %get3A_192, %broadcast_in_dim3A_3 : vector<16xi32>
        %swap3A_194 = arith.index_cast %sub3A_140 : i32 to index
        %swap3A_195 = arith.constant 16 : index
        %swap3A_196 = tpu.vector_load %arg6[%swap3A_194, %swap3A_195] {strides = array<i32>} : memref<2x128xi32, #tpu.memory_space<vmem>>, vector<1x16xi32>,
        %swap3A_197 = vector.shape_cast %swap3A_196 : vector<1x16xi32> to vector<16xi32>
        %swap3A_198 = vector.shape_cast %rem3A_193 : vector<16xi32> to vector<1x16xi32>
        tpu.vector_store %arg6[%swap3A_194, %swap3A_195], %swap3A_198 {strides = array<i32>} : memref<2x128xi32, #tpu.memory_space<vmem>>, vector<1x16xi32>,
        %mul3A_199 = arith.constant 128 : i32
        %mul3A_200 = arith.muli %add3A_172, %mul3A_199 : i32
        %add3A_201 = arith.constant 32 : i32
        %add3A_202 = arith.addi %mul3A_200, %add3A_201 : i32
        %get3A_203 = arith.index_cast %add3A_202 : i32 to index
        %get3A_204 = tpu.vector_load %arg5[%get3A_203] {strides = array<i32>} : memref<512xi32, #tpu.memory_space<vmem>>, vector<16xi32>,
        %get3A_205 = vector.shape_cast %get3A_204 : vector<16xi32> to vector<16xi32>
        %rem3A_206 = arith.remsi %get3A_205, %broadcast_in_dim3A_3 : vector<16xi32>
        %swap3A_207 = arith.index_cast %sub3A_140 : i32 to index
        %swap3A_208 = arith.constant 32 : index
        %swap3A_209 = tpu.vector_load %arg6[%swap3A_207, %swap3A_208] {strides = array<i32>} : memref<2x128xi32, #tpu.memory_space<vmem>>, vector<1x16xi32>,
        %swap3A_210 = vector.shape_cast %swap3A_209 : vector<1x16xi32> to vector<16xi32>
        %swap3A_211 = vector.shape_cast %rem3A_206 : vector<16xi32> to vector<1x16xi32>
        tpu.vector_store %arg6[%swap3A_207, %swap3A_208], %swap3A_211 {strides = array<i32>} : memref<2x128xi32, #tpu.memory_space<vmem>>, vector<1x16xi32>,
        %mul3A_212 = arith.constant 128 : i32
        %mul3A_213 = arith.muli %add3A_172, %mul3A_212 : i32
        %add3A_214 = arith.constant 48 : i32
        %add3A_215 = arith.addi %mul3A_213, %add3A_214 : i32
        %get3A_216 = arith.index_cast %add3A_215 : i32 to index
        %get3A_217 = tpu.vector_load %arg5[%get3A_216] {strides = array<i32>} : memref<512xi32, #tpu.memory_space<vmem>>, vector<16xi32>,
        %get3A_218 = vector.shape_cast %get3A_217 : vector<16xi32> to vector<16xi32>
        %rem3A_219 = arith.remsi %get3A_218, %broadcast_in_dim3A_3 : vector<16xi32>
        %swap3A_220 = arith.index_cast %sub3A_140 : i32 to index
        %swap3A_221 = arith.constant 48 : index
        %swap3A_222 = tpu.vector_load %arg6[%swap3A_220, %swap3A_221] {strides = array<i32>} : memref<2x128xi32, #tpu.memory_space<vmem>>, vector<1x16xi32>,
        %swap3A_223 = vector.shape_cast %swap3A_222 : vector<1x16xi32> to vector<16xi32>
        %swap3A_224 = vector.shape_cast %rem3A_219 : vector<16xi32> to vector<1x16xi32>
        tpu.vector_store %arg6[%swap3A_220, %swap3A_221], %swap3A_224 {strides = array<i32>} : memref<2x128xi32, #tpu.memory_space<vmem>>, vector<1x16xi32>,
        %mul3A_225 = arith.constant 128 : i32
        %mul3A_226 = arith.muli %add3A_172, %mul3A_225 : i32
        %add3A_227 = arith.constant 64 : i32
        %add3A_228 = arith.addi %mul3A_226, %add3A_227 : i32
        %get3A_229 = arith.index_cast %add3A_228 : i32 to index
        %get3A_230 = tpu.vector_load %arg5[%get3A_229] {strides = array<i32>} : memref<512xi32, #tpu.memory_space<vmem>>, vector<16xi32>,
        %get3A_231 = vector.shape_cast %get3A_230 : vector<16xi32> to vector<16xi32>
        %rem3A_232 = arith.remsi %get3A_231, %broadcast_in_dim3A_3 : vector<16xi32>
        %swap3A_233 = arith.index_cast %sub3A_140 : i32 to index
        %swap3A_234 = arith.constant 64 : index
        %swap3A_235 = tpu.vector_load %arg6[%swap3A_233, %swap3A_234] {strides = array<i32>} : memref<2x128xi32, #tpu.memory_space<vmem>>, vector<1x16xi32>,
        %swap3A_236 = vector.shape_cast %swap3A_235 : vector<1x16xi32> to vector<16xi32>
        %swap3A_237 = vector.shape_cast %rem3A_232 : vector<16xi32> to vector<1x16xi32>
        tpu.vector_store %arg6[%swap3A_233, %swap3A_234], %swap3A_237 {strides = array<i32>} : memref<2x128xi32, #tpu.memory_space<vmem>>, vector<1x16xi32>,
        %mul3A_238 = arith.constant 128 : i32
        %mul3A_239 = arith.muli %add3A_172, %mul3A_238 : i32
        %add3A_240 = arith.constant 80 : i32
        %add3A_241 = arith.addi %mul3A_239, %add3A_240 : i32
        %get3A_242 = arith.index_cast %add3A_241 : i32 to index
        %get3A_243 = tpu.vector_load %arg5[%get3A_242] {strides = array<i32>} : memref<512xi32, #tpu.memory_space<vmem>>, vector<16xi32>,
        %get3A_244 = vector.shape_cast %get3A_243 : vector<16xi32> to vector<16xi32>
        %rem3A_245 = arith.remsi %get3A_244, %broadcast_in_dim3A_3 : vector<16xi32>
        %swap3A_246 = arith.index_cast %sub3A_140 : i32 to index
        %swap3A_247 = arith.constant 80 : index
        %swap3A_248 = tpu.vector_load %arg6[%swap3A_246, %swap3A_247] {strides = array<i32>} : memref<2x128xi32, #tpu.memory_space<vmem>>, vector<1x16xi32>,
        %swap3A_249 = vector.shape_cast %swap3A_248 : vector<1x16xi32> to vector<16xi32>
        %swap3A_250 = vector.shape_cast %rem3A_245 : vector<16xi32> to vector<1x16xi32>
        tpu.vector_store %arg6[%swap3A_246, %swap3A_247], %swap3A_250 {strides = array<i32>} : memref<2x128xi32, #tpu.memory_space<vmem>>, vector<1x16xi32>,
        %mul3A_251 = arith.constant 128 : i32
        %mul3A_252 = arith.muli %add3A_172, %mul3A_251 : i32
        %add3A_253 = arith.constant 96 : i32
        %add3A_254 = arith.addi %mul3A_252, %add3A_253 : i32
        %get3A_255 = arith.index_cast %add3A_254 : i32 to index
        %get3A_256 = tpu.vector_load %arg5[%get3A_255] {strides = array<i32>} : memref<512xi32, #tpu.memory_space<vmem>>, vector<16xi32>,
        %get3A_257 = vector.shape_cast %get3A_256 : vector<16xi32> to vector<16xi32>
        %rem3A_258 = arith.remsi %get3A_257, %broadcast_in_dim3A_3 : vector<16xi32>
        %swap3A_259 = arith.index_cast %sub3A_140 : i32 to index
        %swap3A_260 = arith.constant 96 : index
        %swap3A_261 = tpu.vector_load %arg6[%swap3A_259, %swap3A_260] {strides = array<i32>} : memref<2x128xi32, #tpu.memory_space<vmem>>, vector<1x16xi32>,
        %swap3A_262 = vector.shape_cast %swap3A_261 : vector<1x16xi32> to vector<16xi32>
        %swap3A_263 = vector.shape_cast %rem3A_258 : vector<16xi32> to vector<1x16xi32>
        tpu.vector_store %arg6[%swap3A_259, %swap3A_260], %swap3A_263 {strides = array<i32>} : memref<2x128xi32, #tpu.memory_space<vmem>>, vector<1x16xi32>,
        %mul3A_264 = arith.constant 128 : i32
        %mul3A_265 = arith.muli %add3A_172, %mul3A_264 : i32
        %add3A_266 = arith.constant 112 : i32
        %add3A_267 = arith.addi %mul3A_265, %add3A_266 : i32
        %get3A_268 = arith.index_cast %add3A_267 : i32 to index
        %get3A_269 = tpu.vector_load %arg5[%get3A_268] {strides = array<i32>} : memref<512xi32, #tpu.memory_space<vmem>>, vector<16xi32>,
        %get3A_270 = vector.shape_cast %get3A_269 : vector<16xi32> to vector<16xi32>
        %rem3A_271 = arith.remsi %get3A_270, %broadcast_in_dim3A_3 : vector<16xi32>
        %swap3A_272 = arith.index_cast %sub3A_140 : i32 to index
        %swap3A_273 = arith.constant 112 : index
        %swap3A_274 = tpu.vector_load %arg6[%swap3A_272, %swap3A_273] {strides = array<i32>} : memref<2x128xi32, #tpu.memory_space<vmem>>, vector<1x16xi32>,
        %swap3A_275 = vector.shape_cast %swap3A_274 : vector<1x16xi32> to vector<16xi32>
        %swap3A_276 = vector.shape_cast %rem3A_271 : vector<16xi32> to vector<1x16xi32>
        tpu.vector_store %arg6[%swap3A_272, %swap3A_273], %swap3A_276 {strides = array<i32>} : memref<2x128xi32, #tpu.memory_space<vmem>>, vector<1x16xi32>,
        %ge3A = arith.constant 1 : i32
        %ge3A_277 = arith.cmpi sge, %add3A_129, %ge3A : i32
        %convert_element_type3A_278 = arith.extui %ge3A_277 : i1 to i32
        %cond3A_279 = arith.constant 0 : i32
        %cond3A_280 = arith.cmpi ne, %convert_element_type3A_278, %cond3A_279 : i32
        scf.if %cond3A_280 {
          %sub3A_291 = arith.constant 1 : i32
          %sub3A_292 = arith.subi %add3A_129, %sub3A_291 : i32
          %mul3A_293 = arith.constant 128 : i32
          %mul3A_294 = arith.muli %sub3A_292, %mul3A_293 : i32
          %add3A_295 = arith.addi %mul3A_2, %mul3A_294 : i32
          %dma_wait3A_296 = arith.constant 0 : i32
          %dma_wait3A_297 = arith.constant 0 : i32
          %dma_wait3A_298 = tpu.memref_slice %arg7[%sub3A_140, %dma_wait3A_296, %dma_wait3A_297] : memref<2x128x128xf32, #tpu.memory_space<vmem>> -> memref<1x128x128xf32, #tpu.memory_space<vmem>>
          %dma_wait3A_299 = tpu.memref_squeeze %dma_wait3A_298 : memref<1x128x128xf32, #tpu.memory_space<vmem>> -> memref<128x128xf32, #tpu.memory_space<vmem>>
          %dma_wait3A_300 = arith.constant 0 : i32
          %dma_wait3A_301 = tpu.memref_slice %arg4[%add3A_295, %dma_wait3A_300] : memref<16384x128xf32, #tpu.memory_space<hbm>> -> memref<128x128xf32, #tpu.memory_space<hbm>>
          %dma_wait3A_302 = arith.constant 0 : i32
          %dma_wait3A_303 = tpu.memref_slice %arg4[%add3A_295, %dma_wait3A_302] : memref<16384x128xf32, #tpu.memory_space<hbm>> -> memref<128x128xf32, #tpu.memory_space<hbm>>
          %dma_wait3A_304 = arith.constant 0 : i32
          %dma_wait3A_305 = arith.constant 0 : i32
          %dma_wait3A_306 = tpu.memref_slice %arg7[%sub3A_140, %dma_wait3A_304, %dma_wait3A_305] : memref<2x128x128xf32, #tpu.memory_space<vmem>> -> memref<1x128x128xf32, #tpu.memory_space<vmem>>
          %dma_wait3A_307 = tpu.memref_squeeze %dma_wait3A_306 : memref<1x128x128xf32, #tpu.memory_space<vmem>> -> memref<128x128xf32, #tpu.memory_space<vmem>>
          tpu.wait_dma2 semaphore(%arg9 : memref<!tpu.dma_semaphore, #tpu.memory_space<semaphore_mem>>) src(%dma_wait3A_307 : memref<128x128xf32, #tpu.memory_space<vmem>>) dst(%dma_wait3A_303 : memref<128x128xf32, #tpu.memory_space<hbm>>)
        } else {
        }
        %dma_start3A_281 = arith.constant 0 : i32
        %dma_start3A_282 = arith.constant 0 : i32
        %dma_start3A_283 = tpu.memref_slice %arg7[%sub3A_140, %dma_start3A_281, %dma_start3A_282] : memref<2x128x128xf32, #tpu.memory_space<vmem>> -> memref<1x128x128xf32, #tpu.memory_space<vmem>>
        %dma_start3A_284 = tpu.memref_squeeze %dma_start3A_283 : memref<1x128x128xf32, #tpu.memory_space<vmem>> -> memref<128x128xf32, #tpu.memory_space<vmem>>
        %dma_start3A_285 = arith.constant 0 : i32
        %dma_start3A_286 = tpu.memref_slice %arg6[%sub3A_140, %dma_start3A_285] : memref<2x128xi32, #tpu.memory_space<vmem>> -> memref<1x128xi32, #tpu.memory_space<vmem>>
        %dma_start3A_287 = tpu.memref_squeeze %dma_start3A_286 : memref<1x128xi32, #tpu.memory_space<vmem>> -> memref<128xi32, #tpu.memory_space<vmem>>
        %dma_start3A_288 = arith.constant 0 : i32
        %dma_start3A_289 = arith.constant 0 : i32
        %dma_start3A_290 = tpu.memref_slice %arg2[%dma_start3A_288, %dma_start3A_289] : memref<100x128xf32, #tpu.memory_space<hbm>> -> memref<100x128xf32, #tpu.memory_space<hbm>>
        tpu.enqueue_indirect_dma source(%dma_start3A_290 : memref<100x128xf32, #tpu.memory_space<hbm>>) target(%dma_start3A_284 : memref<128x128xf32, #tpu.memory_space<vmem>>) offsets(%dma_start3A_287 : memref<128xi32, #tpu.memory_space<vmem>>) semaphore(%arg8 : memref<!tpu.dma_semaphore, #tpu.memory_space<semaphore_mem>>)
      } else {
      }
      %dma_wait3A_146 = arith.constant 0 : i32
      %dma_wait3A_147 = arith.constant 0 : i32
      %dma_wait3A_148 = tpu.memref_slice %arg7[%select_n3A_139, %dma_wait3A_146, %dma_wait3A_147] : memref<2x128x128xf32, #tpu.memory_space<vmem>> -> memref<1x128x128xf32, #tpu.memory_space<vmem>>
      %dma_wait3A_149 = tpu.memref_squeeze %dma_wait3A_148 : memref<1x128x128xf32, #tpu.memory_space<vmem>> -> memref<128x128xf32, #tpu.memory_space<vmem>>
      %dma_wait3A_150 = arith.constant 0 : i32
      %dma_wait3A_151 = tpu.memref_slice %arg6[%select_n3A_139, %dma_wait3A_150] : memref<2x128xi32, #tpu.memory_space<vmem>> -> memref<1x128xi32, #tpu.memory_space<vmem>>
      %dma_wait3A_152 = tpu.memref_squeeze %dma_wait3A_151 : memref<1x128xi32, #tpu.memory_space<vmem>> -> memref<128xi32, #tpu.memory_space<vmem>>
      %dma_wait3A_153 = arith.constant 0 : i32
      %dma_wait3A_154 = arith.constant 0 : i32
      %dma_wait3A_155 = tpu.memref_slice %arg2[%dma_wait3A_153, %dma_wait3A_154] : memref<100x128xf32, #tpu.memory_space<hbm>> -> memref<100x128xf32, #tpu.memory_space<hbm>>
      tpu.wait_indirect_dma semaphore(%arg8 : memref<!tpu.dma_semaphore, #tpu.memory_space<semaphore_mem>>) src(%dma_wait3A_155 : memref<100x128xf32, #tpu.memory_space<hbm>>) dst(%dma_wait3A_149 : memref<128x128xf32, #tpu.memory_space<vmem>>)
      %mul3A_156 = arith.constant 128 : i32
      %mul3A_157 = arith.muli %add3A_129, %mul3A_156 : i32
      %add3A_158 = arith.addi %mul3A_2, %mul3A_157 : i32
      %dma_start3A_159 = arith.constant 0 : i32
      %dma_start3A_160 = arith.constant 0 : i32
      %dma_start3A_161 = tpu.memref_slice %arg7[%select_n3A_139, %dma_start3A_159, %dma_start3A_160] : memref<2x128x128xf32, #tpu.memory_space<vmem>> -> memref<1x128x128xf32, #tpu.memory_space<vmem>>
      %dma_start3A_162 = tpu.memref_squeeze %dma_start3A_161 : memref<1x128x128xf32, #tpu.memory_space<vmem>> -> memref<128x128xf32, #tpu.memory_space<vmem>>
      %dma_start3A_163 = arith.constant 0 : i32
      %dma_start3A_164 = tpu.memref_slice %arg4[%add3A_158, %dma_start3A_163] : memref<16384x128xf32, #tpu.memory_space<hbm>> -> memref<128x128xf32, #tpu.memory_space<hbm>>
      %dma_start3A_165 = arith.constant 0 : i32
      %dma_start3A_166 = tpu.memref_slice %arg4[%add3A_158, %dma_start3A_165] : memref<16384x128xf32, #tpu.memory_space<hbm>> -> memref<128x128xf32, #tpu.memory_space<hbm>>
      %dma_start3A_167 = arith.constant 0 : i32
      %dma_start3A_168 = arith.constant 0 : i32
      %dma_start3A_169 = tpu.memref_slice %arg7[%select_n3A_139, %dma_start3A_167, %dma_start3A_168] : memref<2x128x128xf32, #tpu.memory_space<vmem>> -> memref<1x128x128xf32, #tpu.memory_space<vmem>>
      %dma_start3A_170 = tpu.memref_squeeze %dma_start3A_169 : memref<1x128x128xf32, #tpu.memory_space<vmem>> -> memref<128x128xf32, #tpu.memory_space<vmem>>
      tpu.enqueue_dma source(%dma_start3A_170 : memref<128x128xf32, #tpu.memory_space<vmem>>) target(%dma_start3A_166 : memref<128x128xf32, #tpu.memory_space<hbm>>) target_semaphore(%arg9 : memref<!tpu.dma_semaphore, #tpu.memory_space<semaphore_mem>>)
    }
    %scan3A_95 = arith.constant 4 : i32
    %add3A_96 = arith.constant 256 : i32
    %add3A_97 = arith.addi %mul3A_2, %add3A_96 : i32
    %dma_wait3A = arith.constant 0 : i32
    %dma_wait3A_98 = arith.constant 0 : i32
    %dma_wait3A_99 = arith.constant 0 : i32
    %dma_wait3A_100 = tpu.memref_slice %arg7[%dma_wait3A, %dma_wait3A_98, %dma_wait3A_99] : memref<2x128x128xf32, #tpu.memory_space<vmem>> -> memref<1x128x128xf32, #tpu.memory_space<vmem>>
    %dma_wait3A_101 = tpu.memref_squeeze %dma_wait3A_100 : memref<1x128x128xf32, #tpu.memory_space<vmem>> -> memref<128x128xf32, #tpu.memory_space<vmem>>
    %dma_wait3A_102 = arith.constant 0 : i32
    %dma_wait3A_103 = tpu.memref_slice %arg4[%add3A_97, %dma_wait3A_102] : memref<16384x128xf32, #tpu.memory_space<hbm>> -> memref<128x128xf32, #tpu.memory_space<hbm>>
    %dma_wait3A_104 = arith.constant 0 : i32
    %dma_wait3A_105 = tpu.memref_slice %arg4[%add3A_97, %dma_wait3A_104] : memref<16384x128xf32, #tpu.memory_space<hbm>> -> memref<128x128xf32, #tpu.memory_space<hbm>>
    %dma_wait3A_106 = arith.constant 0 : i32
    %dma_wait3A_107 = arith.constant 0 : i32
    %dma_wait3A_108 = tpu.memref_slice %arg7[%dma_wait3A, %dma_wait3A_106, %dma_wait3A_107] : memref<2x128x128xf32, #tpu.memory_space<vmem>> -> memref<1x128x128xf32, #tpu.memory_space<vmem>>
    %dma_wait3A_109 = tpu.memref_squeeze %dma_wait3A_108 : memref<1x128x128xf32, #tpu.memory_space<vmem>> -> memref<128x128xf32, #tpu.memory_space<vmem>>
    tpu.wait_dma2 semaphore(%arg9 : memref<!tpu.dma_semaphore, #tpu.memory_space<semaphore_mem>>) src(%dma_wait3A_109 : memref<128x128xf32, #tpu.memory_space<vmem>>) dst(%dma_wait3A_105 : memref<128x128xf32, #tpu.memory_space<hbm>>)
    %add3A_110 = arith.constant 384 : i32
    %add3A_111 = arith.addi %mul3A_2, %add3A_110 : i32
    %dma_wait3A_112 = arith.constant 1 : i32
    %dma_wait3A_113 = arith.constant 0 : i32
    %dma_wait3A_114 = arith.constant 0 : i32
    %dma_wait3A_115 = tpu.memref_slice %arg7[%dma_wait3A_112, %dma_wait3A_113, %dma_wait3A_114] : memref<2x128x128xf32, #tpu.memory_space<vmem>> -> memref<1x128x128xf32, #tpu.memory_space<vmem>>
    %dma_wait3A_116 = tpu.memref_squeeze %dma_wait3A_115 : memref<1x128x128xf32, #tpu.memory_space<vmem>> -> memref<128x128xf32, #tpu.memory_space<vmem>>
    %dma_wait3A_117 = arith.constant 0 : i32
    %dma_wait3A_118 = tpu.memref_slice %arg4[%add3A_111, %dma_wait3A_117] : memref<16384x128xf32, #tpu.memory_space<hbm>> -> memref<128x128xf32, #tpu.memory_space<hbm>>
    %dma_wait3A_119 = arith.constant 0 : i32
    %dma_wait3A_120 = tpu.memref_slice %arg4[%add3A_111, %dma_wait3A_119] : memref<16384x128xf32, #tpu.memory_space<hbm>> -> memref<128x128xf32, #tpu.memory_space<hbm>>
    %dma_wait3A_121 = arith.constant 0 : i32
    %dma_wait3A_122 = arith.constant 0 : i32
    %dma_wait3A_123 = tpu.memref_slice %arg7[%dma_wait3A_112, %dma_wait3A_121, %dma_wait3A_122] : memref<2x128x128xf32, #tpu.memory_space<vmem>> -> memref<1x128x128xf32, #tpu.memory_space<vmem>>
    %dma_wait3A_124 = tpu.memref_squeeze %dma_wait3A_123 : memref<1x128x128xf32, #tpu.memory_space<vmem>> -> memref<128x128xf32, #tpu.memory_space<vmem>>
    tpu.wait_dma2 semaphore(%arg9 : memref<!tpu.dma_semaphore, #tpu.memory_space<semaphore_mem>>) src(%dma_wait3A_124 : memref<128x128xf32, #tpu.memory_space<vmem>>) dst(%dma_wait3A_120 : memref<128x128xf32, #tpu.memory_space<hbm>>)
    return
  }
}

module attributes {stable_mosaic.version = 14 : i64} {
  func.func @_tc_body(%arg0: i32, %arg1: memref<1x1x1024xi32, #tpu.memory_space<vmem>>, %arg2: memref<1024x128xf32, #tpu.memory_space<vmem>>, %arg3: memref<128x128xf32, #tpu.memory_space<vmem>>, %arg4: memref<1024x1024xf32, #tpu.memory_space<vmem>>, %arg5: memref<128x8x128xf32, #tpu.memory_space<vmem>>) attributes {dimension_semantics = [#tpu.dimension_semantics<arbitrary>], iteration_bounds = array<i64: 16>, scalar_prefetch = 0 : i64, scratch_operands = 0 : i64, tpu.core_type = #tpu.core_type<tc>, window_params = [{transform_indices = @transform_0, window_bounds = array<i64: 1, 1, 1024>}, {pipeline_mode = #tpu.pipeline_mode<synchronous>, transform_indices = @transform_1, window_bounds = array<i64: 1024, 128>}, {pipeline_mode = #tpu.pipeline_mode<synchronous>, transform_indices = @transform_2, window_bounds = array<i64: 128, 128>}, {transform_indices = @transform_3, window_bounds = array<i64: 1024, 1024>}, {transform_indices = @transform_4, window_bounds = array<i64: 128, 8, 128>}]} {
    %get3A = arith.constant 0 : index
    %get3A_0 = arith.constant 0 : index
    %get3A_1 = arith.constant 0 : index
    %get3A_2 = vector.load %arg1[%get3A, %get3A_0, %get3A_1] : memref<1x1x1024xi32, #tpu.memory_space<vmem>>, vector<1x1x1024xi32>
    %get3A_3 = vector.shape_cast %get3A_2 : vector<1x1x1024xi32> to vector<1024xi32>
    %div3A = arith.constant 100 : i32
    %div3A_4 = vector.broadcast %div3A : i32 to vector<1024xi32>
    %div3A_5 = arith.divsi %get3A_3, %div3A_4 : vector<1024xi32>
    %rem3A = arith.constant 100 : i32
    %rem3A_6 = vector.broadcast %rem3A : i32 to vector<1024xi32>
    %rem3A_7 = arith.remsi %div3A_5, %rem3A_6 : vector<1024xi32>
    %div3A_8 = arith.constant 100 : i32
    %div3A_9 = vector.broadcast %div3A_8 : i32 to vector<1024xi32>
    %div3A_10 = arith.divsi %div3A_5, %div3A_9 : vector<1024xi32>
    %iota3A = tpu.iota {dimensions = array<i32: 0>} : vector<128x1024xi32>
    %broadcast_in_dim3A = vector.shape_cast %rem3A_7 : vector<1024xi32> to vector<1x1024xi32>
    %eq3A = vector.broadcast %broadcast_in_dim3A : vector<1x1024xi32> to vector<128x1024xi32>
    %eq3A_11 = arith.cmpi eq, %iota3A, %eq3A : vector<128x1024xi32>
    %convert_element_type3A = arith.extui %eq3A_11 : vector<128x1024xi1> to vector<128x1024xi32>
    %convert_element_type3A_12 = arith.sitofp %convert_element_type3A : vector<128x1024xi32> to vector<128x1024xf32>
    %broadcast_in_dim3A_13 = vector.shape_cast %div3A_10 : vector<1024xi32> to vector<1x1024xi32>
    %eq3A_14 = vector.broadcast %broadcast_in_dim3A_13 : vector<1x1024xi32> to vector<128x1024xi32>
    %eq3A_15 = arith.cmpi eq, %iota3A, %eq3A_14 : vector<128x1024xi32>
    %convert_element_type3A_16 = arith.extui %eq3A_15 : vector<128x1024xi1> to vector<128x1024xi32>
    %convert_element_type3A_17 = arith.sitofp %convert_element_type3A_16 : vector<128x1024xi32> to vector<128x1024xf32>
    %get3A_18 = arith.constant 0 : index
    %get3A_19 = arith.constant 0 : index
    %get3A_20 = vector.load %arg2[%get3A_18, %get3A_19] : memref<1024x128xf32, #tpu.memory_space<vmem>>, vector<1024x128xf32>
    %dot_general3A = arith.constant dense<0.000000e+00> : vector<1024x1024xf32>
    %dot_general3A_21 = tpu.matmul %get3A_20, %convert_element_type3A_12, %dot_general3A {dimension_numbers = #tpu.dot_dimension_numbers<[1], [0], [0], [1], [0, 0, 1, 1], [], []>, transpose_lhs_hint = false} : vector<1024x128xf32>, vector<128x1024xf32>, vector<1024x1024xf32> -> vector<1024x1024xf32>
    %swap3A = arith.constant 0 : index
    %swap3A_22 = arith.constant 0 : index
    %swap3A_23 = vector.load %arg4[%swap3A, %swap3A_22] : memref<1024x1024xf32, #tpu.memory_space<vmem>>, vector<1024x1024xf32>
    tpu.vector_store %arg4[%swap3A, %swap3A_22], %dot_general3A_21 {strides = array<i32>} : memref<1024x1024xf32, #tpu.memory_space<vmem>>, vector<1024x1024xf32>,
    %get3A_24 = arith.constant 0 : index
    %get3A_25 = arith.constant 0 : index
    %get3A_26 = vector.load %arg3[%get3A_24, %get3A_25] : memref<128x128xf32, #tpu.memory_space<vmem>>, vector<128x128xf32>
    %dot_general3A_27 = arith.constant dense<0.000000e+00> : vector<128x1024xf32>
    %dot_general3A_28 = tpu.matmul %get3A_26, %convert_element_type3A_17, %dot_general3A_27 {dimension_numbers = #tpu.dot_dimension_numbers<[1], [0], [0], [1], [0, 0, 1, 1], [], []>, transpose_lhs_hint = false} : vector<128x128xf32>, vector<128x1024xf32>, vector<128x1024xf32> -> vector<128x1024xf32>
    %reshape3A = vector.shape_cast %dot_general3A_28 : vector<128x1024xf32> to vector<128x8x128xf32>
    %swap3A_29 = arith.constant 0 : index
    %swap3A_30 = arith.constant 0 : index
    %swap3A_31 = arith.constant 0 : index
    %swap3A_32 = vector.load %arg5[%swap3A_29, %swap3A_30, %swap3A_31] : memref<128x8x128xf32, #tpu.memory_space<vmem>>, vector<128x8x128xf32>
    tpu.vector_store %arg5[%swap3A_29, %swap3A_30, %swap3A_31], %reshape3A {strides = array<i32>} : memref<128x8x128xf32, #tpu.memory_space<vmem>>, vector<128x8x128xf32>,
    return
  }
  func.func @transform_0(%arg0: i32) -> (i32, i32, i32) {
    %c0_i32 = arith.constant 0 : i32
    %c0_i32_0 = arith.constant 0 : i32
    %c0_i32_1 = arith.constant 0 : i32
    return %arg0, %c0_i32, %c0_i32_0 : i32, i32, i32
  }
  func.func @transform_1(%arg0: i32) -> (i32, i32) {
    %c0_i32 = arith.constant 0 : i32
    %c0_i32_0 = arith.constant 0 : i32
    %c0_i32_1 = arith.constant 0 : i32
    return %c0_i32, %c0_i32_0 : i32, i32
  }
  func.func @transform_2(%arg0: i32) -> (i32, i32) {
    %c0_i32 = arith.constant 0 : i32
    %c0_i32_0 = arith.constant 0 : i32
    %c0_i32_1 = arith.constant 0 : i32
    return %c0_i32, %c0_i32_0 : i32, i32
  }
  func.func @transform_3(%arg0: i32) -> (i32, i32) {
    %c0_i32 = arith.constant 0 : i32
    %c0_i32_0 = arith.constant 0 : i32
    return %c0_i32, %arg0 : i32, i32
  }
  func.func @transform_4(%arg0: i32) -> (i32, i32, i32) {
    %c0_i32 = arith.constant 0 : i32
    %c0_i32_0 = arith.constant 0 : i32
    %c0_i32_1 = arith.constant 0 : i32
    return %c0_i32, %arg0, %c0_i32_0 : i32, i32, i32
  }
}

</mosaic_0001>

<sc_bundles>
// kernel: _run.4.cloned.1.call-start
scs
__scs_entry_jumppad:
0x0: {  	(pc) =	sbr.rel $0x88, $3  }
0x1: {  	(tag) =	ssettag $0x0;
	lr =	simm.s32 $0x1  }
0x2: {  	[smem:$0x3F9D] =	sst lr;
	_ =	strace $0xD0000000  }
0x3: {  	_ = 	snop  }
0x4: {  	_ = 	snop  }
0x5: {  	_ = 	snop  }
0x6: {  	_ = 	snop  }
0x7: {  	_ = 	snop  }
__scs_overlays_trampoline_lowered:
0x8: {  	[smem:$0x3FAC] =	sst s0  }
0x9: {  	[smem:$0x3FAD] =	sst s1  }
0xa: {  	[smem:$0x3FAE] =	sst s2  }
0xb: {  	[smem:$0x3FAF] =	sst s3  }
0xc: {  	[smem:$0x3FB0] =	sst s4  }
0xd: {  	[smem:$0x3FB1] =	sst s5  }
0xe: {  	[smem:$0x3FB2] =	sst s6  }
0xf: {  	[smem:$0x3FB3] =	sst s7  }
0x10: {  	[smem:$0x3FB4] =	sst s8  }
0x11: {  	[smem:$0x3FB5] =	sst s9;
	s0 =	simm.s32 @!p0 $0x0  }
0x12: {  	s1 =	sld [smem:$0x3F9B];
	s0 =	simm.s32 @p0 $0x1  }
0x13: {  	[smem:$0x3FB6] =	sst s0;
	s0 =	simm.s32 @!p1 $0x0  }
0x14: {  	s2 =	sld [smem:$0x3F9A];
	s0 =	simm.s32 @p1 $0x1  }
0x15: {  	[smem:$0x3FB7] =	sst s0;
	s0 =	simm.s32 @!p2 $0x0  }
0x16: {  	s3 =	sld [smem:$0x3FDB];
	s0 =	simm.s32 @p2 $0x1  }
0x17: {  	s4 =	simm.s32 $0x1BF5;
	[smem:$0x3FB9] =	sst s0  }
0x18: {  	s0 =	sld [smem:$0x3F9C];
	_ =	swait.ge [sflag:s4], $0x0  }
0x19: {  	s7 =	sld [smem:$0x3F9D]  }
0x1a: {  	s8 =	sadd.s32 $0xFFFFE003, lr  }
0x1b: {  	s9 =	sadd.s32 $0xFFFFFEF7, lr;
	s5 =	simm.s32 $0xFFFFFFFF;
	p2 =	slt.u32 s8, $0xFFFFF086  }
0x1c: {  	p1 =	slt.u32 s9, $0xF7A;
	s5 =	simm.s32 @!p2 $0x0  }
0x1d: {  	s5 =	simm.s32 @p1 $0x1;
	p0 =	seq.s32 s7, s2  }
0x1e: {  	s7 =	smul.u32 @!p0 $0xF7A, s2;
	p2 =	seq.s32 @!p0 s5, $0x0  }
0x1f: {  	s9 =	smul.u32 $0xF7A, s1;
	s8 =	simm.s32 @!p0 $0x1BF5;
	p2 =	por !p2, p0  }
0x20: {  	[sflag:s8] =	ssyncset.s32 @!p0 $0xFFFFF086;
	s6 =	sadd.s32 @!p0 s3, s7;
	s7 =	simm.s32 @!p0 $0x108  }
0x21: {  	s3 =	sadd.s32 s3, s9;
	s6 =	sadd.s32 @!p0 $0x88, s6;
	s7 =	simm.s32 @p2 $0x1082  }
0x22: {  	[simem:s7], [sflag:s8] =	dma.local @!p0 [hbm:s6], $0xF7A  }
0x23: {  	s9 =	sor.u32 $0xD0000000, s2;
	s6 =	simm.s32 $0x108;
	_ =	swait.ge @!p0 [sflag:s8], $0x0  }
0x24: {  	s3 =	sadd.s32 $0x88, s3;
	s6 =	simm.s32 @!p1 $0x1082;
	[sflag:s4] =	ssyncset.s32 $0xFFFFF086  }
0x25: {  	[simem:s6], [sflag:s4] =	dma.local [hbm:s3], $0xF7A  }
0x26: {  	[smem:$0x3F9D] =	sst s1;
	(tag) =	ssettag s2;
	_ =	strace s9  }
0x27: {  	s1 =	sld [smem:$0x3FAD]  }
0x28: {  	s2 =	sld [smem:$0x3FAE]  }
0x29: {  	s4 =	sld [smem:$0x3FB0]  }
0x2a: {  	p0 =	seq.s32 s5, $0x0;
	s5 =	sld [smem:$0x3FB1]  }
0x2b: {  	s6 =	sld [smem:$0x3FB2]  }
0x2c: {  	s7 =	sld [smem:$0x3FB3]  }
0x2d: {  	s3 =	simm.s32 $0x108;
	s8 =	sld [smem:$0x3FB4]  }
0x2e: {  	s3 =	simm.s32 @!p0 $0x1082;
	s9 =	sld [smem:$0x3FB5]  }
0x2f: {  	lr =	sadd.s32 s0, s3;
	s0 =	sld [smem:$0x3FAC]  }
0x30: {  	s3 =	sld [smem:$0x3FAF]  }
0x31: {  	[smem:$0x3FB8] =	sst s10  }
0x32: {  	s10 =	sld [smem:$0x3FB6];
	_ =	sdelay $0x3  }
0x33: {  	p0 =	seq.s32 s10, $0x1;
	s10 =	sld [smem:$0x3FB8];
	_ =	sdelay $0x3  }
0x34: {  	[smem:$0x3FB8] =	sst s10  }
0x35: {  	s10 =	sld [smem:$0x3FB7];
	_ =	sdelay $0x3  }
0x36: {  	p1 =	seq.s32 s10, $0x1;
	s10 =	sld [smem:$0x3FB8];
	_ =	sdelay $0x3  }
0x37: {  	[smem:$0x3FB8] =	sst s10  }
0x38: {  	s10 =	sld [smem:$0x3FB9]  }
0x39: {  	_ = 	snop;
	(pc) =	sbr.ind lr, $3  }
0x3a: {  	_ = 	snop  }
0x3b: {  	_ = 	snop  }
0x3c: {  	p2 =	seq.s32 s10, $0x1;
	s10 =	sld [smem:$0x3FB8]  }
0x3d: {  	_ =	shalt  }
0x3e: {  	_ =	shalt  }
0x3f: {  	_ =	shalt  }
0x40: {  	_ =	shalt  }
0x41: {  	_ =	shalt  }
0x42: {  	_ =	shalt  }
0x43: {  	_ =	shalt  }
0x44: {  	_ =	shalt  }
0x45: {  	_ =	shalt  }
0x46: {  	_ =	shalt  }
0x47: {  	_ =	shalt  }
0x48: {  	_ =	shalt  }
0x49: {  	_ =	shalt  }
0x4a: {  	_ =	shalt  }
0x4b: {  	_ =	shalt  }
0x4c: {  	_ =	shalt  }
0x4d: {  	_ =	shalt  }
0x4e: {  	_ =	shalt  }
0x4f: {  	_ =	shalt  }
0x50: {  	_ =	shalt  }
0x51: {  	_ =	shalt  }
0x52: {  	_ =	shalt  }
0x53: {  	_ =	shalt  }
0x54: {  	_ =	shalt  }
0x55: {  	_ =	shalt  }
0x56: {  	_ =	shalt  }
0x57: {  	_ =	shalt  }
0x58: {  	_ =	shalt  }
0x59: {  	_ =	shalt  }
0x5a: {  	_ =	shalt  }
0x5b: {  	_ =	shalt  }
0x5c: {  	_ =	shalt  }
0x5d: {  	_ =	shalt  }
0x5e: {  	_ =	shalt  }
0x5f: {  	_ =	shalt  }
0x60: {  	_ =	shalt  }
0x61: {  	_ =	shalt  }
0x62: {  	_ =	shalt  }
0x63: {  	_ =	shalt  }
0x64: {  	_ =	shalt  }
0x65: {  	_ =	shalt  }
0x66: {  	_ =	shalt  }
0x67: {  	_ =	shalt  }
0x68: {  	_ =	shalt  }
0x69: {  	_ =	shalt  }
0x6a: {  	_ =	shalt  }
0x6b: {  	_ =	shalt  }
0x6c: {  	_ =	shalt  }
0x6d: {  	_ =	shalt  }
0x6e: {  	_ =	shalt  }
0x6f: {  	_ =	shalt  }
0x70: {  	_ =	shalt  }
0x71: {  	_ =	shalt  }
0x72: {  	_ =	shalt  }
0x73: {  	_ =	shalt  }
0x74: {  	_ =	shalt  }
0x75: {  	_ =	shalt  }
0x76: {  	_ =	shalt  }
0x77: {  	_ =	shalt  }
0x78: {  	_ =	shalt  }
0x79: {  	_ =	shalt  }
0x7a: {  	_ =	shalt  }
0x7b: {  	_ =	shalt  }
0x7c: {  	_ =	shalt  }
0x7d: {  	_ =	shalt  }
0x7e: {  	_ =	shalt  }
0x7f: {  	_ =	shalt  }
0x80: {  	_ =	shalt  }
0x81: {  	_ =	shalt  }
0x82: {  	_ =	shalt  }
0x83: {  	_ =	shalt  }
0x84: {  	_ =	shalt  }
0x85: {  	_ =	shalt  }
0x86: {  	_ =	shalt  }
0x87: {  	_ =	shalt  }
.Lfunc_end0:
.L_simem_size_0:
called_computation_lowered:
.L_overlay_start_0:
0x88: {  	s2 =	sld [smem:$0x3FD9]  }
0x89: {  	s3 =	sld [smem:$0x3FFE];
	_ =	sdelay $0x1  }
0x8a: {  	s1 =	srdreg.scid  }
0x8b: {  	s0 =	sand.u32 $0x1, s1  }
0x8c: {  	s15 =	sshll.u32 s0, $0xA;
	s2 =	sadd.s32 s3, s2  }
0x8d: {  	s2 =	sadd.s32 s2, s15  }
0x8e: {  	[smem:$0x3FC4] =	sst s2  }
0x8f: {  	_ = 	snop  }
0x90: {  	s2 =	sld [smem:$0x3FD0];
	_ =	sdelay $0x1  }
0x91: {  	s16 =	sld [smem:$0x3FC9]  }
0x92: {  	s5 =	simm.s32 $0xA;
	s6 =	simm.s32 $0x10;
	s4 =	sld [smem:$0x3FC6]  }
0x93: {  	[smem:s6], [sflag:s5] =	dma.local [hbm:s2], $0x1  }
0x94: {  	_ =	swait.eq [sflag:s5], $0x1  }
0x95: {  	[sflag:s5] =	ssyncset.done $0x0  }
0x96: {  	[sflag:s5] =	ssyncadd.s32 $0xFFFFFFFF  }
0x97: {  	s17 =	sld [smem:$0x10];
	(tm) =	ssettm $0x1  }
0x98: {  	s18 =	sld [smem:$0x3FFB];
	_ =	sdelay $0x3  }
0x99: {  	_ =	strace s18  }
0x9a: {  	s5 =	sld [smem:$0x3FFC];
	_ =	sdelay $0x3  }
0x9b: {  	_ =	strace s5  }
0x9c: {  	s5 =	sld [smem:$0x3FFD];
	_ =	sdelay $0x3  }
0x9d: {  	_ =	strace s5  }
0x9e: {  	_ =	strace $0x8FFFFFFF  }
0x9f: {  	s19 =	sld [smem:$0x3FDB];
	_ =	sdelay $0x1  }
0xa0: {  	s20 =	simm.s32 $_scs_section_size  }
0xa1: {  	s7 =	simm.s32 $_size__tile_overlayer_lowered;
	s8 =	simm.s32 $_tile_overlayer_lowered  }
0xa2: {  	s23 =	simm.s32 $0x1BFF;
	s22 =	sshll.u32 s8, $0x1;
	s5 =	sadd.s32 s20, s19  }
0xa3: {  	s9 =	simm.s32 $0x0;
	s21 =	sshll.u32 s7, $0x1;
	s7 =	sadd.s32 s22, s5  }
0xa4: {  	[timem:s9], [sflag:s23] =	dma.local [hbm:s7], s21  }
0xa5: {  	_ =	swait.ge [sflag:s23], s21  }
0xa6: {  	s6 =	ssub.s32 $0x0, s21;
	[sflag:s23] =	ssyncset.done $0x0  }
0xa7: {  	[sflag:s23] =	ssyncadd.s32 s6;
	_ =	sdelay $0x1  }
0xa8: {  	s24 =	simm.s32 $0x1B8B  }
0xa9: {  	_ =	swait.ge [sflag:s24], $0x1  }
0xaa: {  	[sflag:s24] =	ssyncset.done $0x0  }
0xab: {  	s25 =	simm.s32 $0x1B8E;
	[sflag:s24] =	ssyncadd.s32 $0xFFFFFFFF  }
0xac: {  	s26 =	simm.s32 $execute0_lowered;
	[smem:$0x3FD2] =	sst s25  }
0xad: {  	s6 =	sshll.u32 s26, $0x1;
	_ =	strace $0x80000046;
	[dreg:$0x1] =	wrdreg $0xFFFFFFFF  }
0xae: {  	s28 =	simm.s32 $_size_execute0_lowered;
	s5 =	sadd.s32 s5, s6;
	[dreg:$0x0] =	wrdreg $0x0  }
0xaf: {  	s6 =	sshll.u32 s28, $0x1;
	[dreg:$0x2] =	wrdreg s5  }
0xb0: {  	[dreg:$0x3] =	wrdreg s6  }
0xb1: {  	[dreg:$0x4] =	wrdreg $0xC0  }
0xb2: {  	_ =	task [dreg:s9], $0x5FFFF  }
0xb3: {  	[dreg:$0x1] =	wrdreg $0xFFFFFFFF  }
0xb4: {  	[dreg:$0x0] =	wrdreg $0x60  }
0xb5: {  	[dreg:$0x2] =	wrdreg s16  }
0xb6: {  	[dreg:$0x3] =	wrdreg s4  }
0xb7: {  	[dreg:$0x4] =	wrdreg s17  }
0xb8: {  	[dreg:$0x5] =	wrdreg $0x9  }
0xb9: {  	_ =	task.clear_ibuf [dreg:s9], $0x6FFFF;
	_ =	strace $0x90000046  }
0xba: {  	s29 =	simm.s32 $0x9;
	_ =	strace $0x80000048  }
0xbb: {  	_ =	swait.ge [sflag:s29], $0x1  }
0xbc: {  	[sflag:s29] =	ssyncadd.s32 $0xFFFFFFFF  }
0xbd: {  	_ =	strace $0x90000048  }
0xbe: {  	_ =	sfence  }
0xbf: {  	s30 =	sld [smem:$0x0];
	_ =	sdelay $0x2  }
0xc0: {  	s31 =	sshll.u32 s1, $0xD;
	s1 =	sshrl.u32 s1, $0x2  }
0xc1: {  	s3 =	sand.u32 $0x4000, s31;
	s1 =	sadd.s32 s1, s30  }
0xc2: {  	s0 =	sor.u32 s3, s0;
	s1 =	sshll.u32 s1, $0x11  }
0xc3: {  	s0 =	sor.u32 s1, s0  }
0xc4: {  	s0 =	sadd.s32 $0x8F2B, s0  }
0xc5: {  	[sflag:s0] =	ssyncadd.remote.s32 $0x1  }
0xc6: {  	_ =	sfence.sel $0xFFFF  }
0xc7: {  	[dreg:$0x0] =	wrdreg $0xFFFFFFFF;
	(pc) =	sbr.abs _section_cstart, $3  }
0xc8: {  	[dreg:$0x1] =	wrdreg $0xFFFFFFFF  }
0xc9: {  	_ =	task.clear_ibuf [dreg:s9], $0x2FFFF;
	_ =	strace $0x9FFFFFFF  }
0xca: {  	(tm) =	ssettm $0x7FFFFFFF  }
0xcb: {  	_ =	shalt  }
tec
execute0_lowered:
.L_overlay_start_1:
0x0: {  	(tag) =	ssettag $0x1  }
0x1: {  	s0 =	rddreg [dreg:$0x1]  }
0x2: {  	s1 =	rddreg [dreg:$0x2];
	s3 =	simm.s32 $0x0;
	s2 =	srdreg.scid  }
0x3: {  	v0 =	vimm.s32 $0xECA86420;
	s7 =	stileid.u32;
	[smem:$0x7FF] =	sst s3;
	s2 =	sand.u32 $0x1, s2  }
0x4: {  	vm0 =	vcmask $0xB08;
	vm1 =	vcmask $0x1310;
	s4 =	sshll.u32 s7, $0xA;
	s28 =	sshll.u32 s7, $0xE;
	s5 =	sshll.u32 s2, $0x9  }
0x5: {  	vm2 =	vcmask $0x1B18;
	vm3 =	vcmask $0x300;
	vm4 =	vcmask $0x2320;
	s26 =	ssub.s32 $0x2, s2;
	_ =	strace $0x80000047;
	s4 =	sor.u32 s5, s4  }
.Ltmp0:
0x6: {  	vm5 =	vcmask $0x2B28;
	vm6 =	vcmask $0x3330;
	vm7 =	vcmask $0x3B38;
	s6 =	sshrl.u32 s26, $0x1;
	s4 =	sshrl.u32 s4, $0x3;
	(pc) =	sbr.rel .LBB2_1-.Ltmp0, $4  }
0x7: {  	v1 =	vlaneseq.u32;
	vm8 =	vmmov $0xff;
	vm9 =	vcmask $0x704;
	s29 =	sadd.s32 s28, s1;
	s3 =	ssub.s32 s26, s6;
	s0 =	sadd.s32 s0, s4  }
0x8: {  	vm10 =	vcmask $0xF0C;
	vm11 =	vcmask $0x1714;
	v0 =	vunpack.c.l.s4.s8 v0;
	s30 =	sshll.u32 s2, $0xD;
	s31 =	smax.u32 s3, $0x1;
	[dreg:$0x4] =	wrdreg s0  }
0x9: {  	vm12 =	vcmask $0x1F1C;
	vm13 =	vcmask $0x2724;
	vm14 =	vcmask $0x2F2C;
	[dreg:$0x5] =	wrdreg s31;
	s0 =	sadd.s32 s30, s29  }
0xa: {  	vm15 =	vcmask $0x3734;
	v1 =	vmul.u32 $0x2, v1;
	s2 =	simm.s32 $0x0;
	v0 =	vunpack.c.0.s8.s32 v0;
	[dreg:$0x6] =	wrdreg s0  }
.LBB2_5:
0xb: {  	s1 =	simm.s32 $0x2  }
0xc: {  	_ =	swait.ge [sflag:s1], $0x4000  }
0xd: {  	[sflag:s1] =	ssyncset.done $0x0  }
0xe: {  	[sflag:s1] =	ssyncadd.s32 $0xFFFFC000  }
0xf: {  	_ =	swait.ge [sflag:s1], $0x4000  }
0x10: {  	s2 =	rddreg [dreg:$0x7]  }
0x11: {  	s0 =	rddreg [dreg:$0x5];
	s2 =	sadd.s32 $0x1, s2  }
0x12: {  	p0 =	sne.s32 s2, s0  }
.Ltmp1:
0x13: {  	_ = 	snop;
	(pc) =	sbr.rel @!p0 .LBB2_6-.Ltmp1, $3  }
0x14: {  	_ =	sdelay $0x1  }
0x15: {  	[sflag:s1] =	ssyncset.done $0x0  }
0x16: {  	[sflag:s1] =	ssyncadd.s32 $0xFFFFC000  }
.LBB2_1:
0x17: {  	[dreg:$0x7] =	wrdreg s2  }
0x18: {  	s0 =	simm.s32 $0x0;
	s1 =	rddreg [dreg:$0x4];
	s25 =	simm.s32 $0x3  }
0x19: {  	[tilespmem:s0], [sflag:$0x3] =	stream.linear.gather [hbm4b:s1+s0], $0x200, $0x38;
	[tilespmem:$0x8300] =	vst v63  }
0x1a: {  	_ =	swait.ge [sflag:s25], $0x200  }
0x1b: {  	[sflag:s25] =	ssyncset.done $0x0  }
0x1c: {  	[sflag:s25] =	ssyncadd.s32 $0xFFFFFE00  }
0x1d: {  	v3 =	vld [tilespmem:$0x0];
	_ =	sdelay $0x4  }
0x1e: {  	(v2sf) =	vpush v3, $0xD;
	_ =	sdelay $0x1  }
0x1f: {  	(v2sf) =	vpush v3, $0xC;
	_ =	sdelay $0x1  }
0x20: {  	(v2sf) =	vpush v3, $0xE;
	_ =	sdelay $0x1  }
0x21: {  	(v2sf) =	vpush v3, $0xF;
	_ =	sdelay $0x1  }
0x22: {  	(v2sf) =	vpush v3, $0x9;
	_ =	sdelay $0x1  }
0x23: {  	(v2sf) =	vpush v3, $0x8;
	_ =	sdelay $0x1  }
0x24: {  	(v2sf) =	vpush v3, $0xA  }
0x25: {  	(v2sf) =	vpush v3, $0xB;
	_ =	sdelay $0x1  }
0x26: {  	s26 =	spop (v2sf)  }
0x27: {  	(v2sf) =	vpush v3, $0x0;
	s28 =	smulhi.u32 $0x51EB851F, s26;
	s0 =	sshra.s32 s26, $0x1F  }
0x28: {  	s29 =	spop (v2sf);
	s14 =	smul.u32 $0x51EB851F, s0  }
0x29: {  	(v2sf) =	vpush v3, $0x1;
	s13 =	smulhi.u32 $0x51EB851F, s29;
	s0 =	sshra.s32 s29, $0x1F  }
0x2a: {  	s30 =	spop (v2sf);
	s16 =	smul.u32 $0x51EB851F, s0  }
0x2b: {  	(v2sf) =	vpush v3, $0x2;
	s15 =	smulhi.u32 $0x51EB851F, s30;
	s0 =	sshra.s32 s30, $0x1F  }
0x2c: {  	s31 =	spop (v2sf);
	s18 =	smul.u32 $0x51EB851F, s0  }
0x2d: {  	(v2sf) =	vpush v3, $0x3;
	s17 =	smulhi.u32 $0x51EB851F, s31;
	s0 =	sshra.s32 s31, $0x1F  }
0x2e: {  	s1 =	spop (v2sf);
	s20 =	smul.u32 $0x51EB851F, s0  }
0x2f: {  	(v2sf) =	vpush v3, $0x4;
	s19 =	smulhi.u32 $0x51EB851F, s1;
	s0 =	sshra.s32 s1, $0x1F  }
0x30: {  	s2 =	spop (v2sf);
	(v2sf) =	vpush v3, $0x5;
	s22 =	smul.u32 $0x51EB851F, s0  }
0x31: {  	v2 =	vld [tilespmem:$0x10];
	s21 =	smulhi.u32 $0x51EB851F, s2;
	s0 =	sshra.s32 s2, $0x1F  }
0x32: {  	s3 =	spop (v2sf);
	(v2sf) =	vpush v3, $0x6;
	s24 =	smul.u32 $0x51EB851F, s0  }
0x33: {  	s23 =	smulhi.u32 $0x51EB851F, s3;
	s0 =	sshra.s32 s3, $0x1F;
	s4 =	spop (v2sf);
	(v2sf) =	vpush v3, $0x7  }
0x34: {  	s26 =	smul.u32 $0x51EB851F, s0  }
0x35: {  	s25 =	smulhi.u32 $0x51EB851F, s4;
	s0 =	sshra.s32 s4, $0x1F  }
0x36: {  	s29 =	smul.u32 $0x51EB851F, s0;
	s5 =	spop (v2sf);
	(v2sf) =	vpush v2, $0xD  }
0x37: {  	[smem:$0x73B] =	sst s28;
	s28 =	smulhi.u32 $0x51EB851F, s5;
	s0 =	sshra.s32 s5, $0x1F  }
0x38: {  	s6 =	spop (v2sf);
	s10 =	smul.u32 $0x51EB851F, s0  }
0x39: {  	(v2sf) =	vpush v2, $0xC;
	s30 =	smulhi.u32 $0x51EB851F, s6;
	s0 =	sshra.s32 s6, $0x1F  }
0x3a: {  	s7 =	spop (v2sf);
	s1 =	smul.u32 $0x51EB851F, s0  }
0x3b: {  	s31 =	smulhi.u32 $0x51EB851F, s7;
	s0 =	sshra.s32 s7, $0x1F  }
0x3c: {  	(v2sf) =	vpush v2, $0xE;
	s8 =	spop (v2sf);
	s3 =	smul.u32 $0x51EB851F, s0  }
0x3d: {  	s9 =	smulhi.u32 $0x51EB851F, s8;
	s0 =	sshra.s32 s8, $0x1F  }
0x3e: {  	s11 =	spop (v2sf);
	s4 =	smul.u32 $0x51EB851F, s0  }
0x3f: {  	(v2sf) =	vpush v2, $0xF;
	s12 =	smulhi.u32 $0x51EB851F, s11;
	s0 =	sshra.s32 s11, $0x1F;
	s5 =	spop (v2sf)  }
0x40: {  	[smem:$0x73C] =	sst s9;
	s7 =	smul.u32 $0x51EB851F, s0  }
0x41: {  	s6 =	smulhi.u32 $0x51EB851F, s5;
	s8 =	spop (v2sf)  }
0x42: {  	(v2sf) =	vpush v2, $0x9;
	s0 =	sshra.s32 s5, $0x1F;
	s9 =	smulhi.u32 $0x51EB851F, s8;
	s11 =	spop (v2sf)  }
0x43: {  	[smem:$0x73E] =	sst s6;
	s6 =	smul.u32 $0x51EB851F, s0  }
0x44: {  	[smem:$0x73D] =	sst s12;
	s0 =	sshra.s32 s8, $0x1F;
	s5 =	smulhi.u32 $0x51EB851F, s11  }
0x45: {  	(v2sf) =	vpush v2, $0x8;
	s2 =	smul.u32 $0x51EB851F, s0;
	s0 =	sshra.s32 s11, $0x1F;
	s12 =	spop (v2sf)  }
0x46: {  	[smem:$0x740] =	sst s5;
	s5 =	smul.u32 $0x51EB851F, s0;
	s0 =	sshra.s32 s12, $0x1F  }
0x47: {  	(v2sf) =	vpush v2, $0xA;
	[smem:$0x73F] =	sst s9;
	s0 =	smul.u32 $0x51EB851F, s0  }
0x48: {  	s8 =	smulhi.u32 $0x51EB851F, s12;
	s9 =	spop (v2sf)  }
0x49: {  	(v2sf) =	vpush v2, $0xB;
	s11 =	smulhi.u32 $0x51EB851F, s9;
	[smem:$0x742] =	sst s0;
	s0 =	sshra.s32 s9, $0x1F  }
0x4a: {  	s0 =	smul.u32 $0x51EB851F, s0  }
0x4b: {  	(v2sf) =	vpush v2, $0x0;
	s12 =	spop (v2sf);
	[smem:$0x741] =	sst s8  }
0x4c: {  	[smem:$0x744] =	sst s0;
	s0 =	sshra.s32 s12, $0x1F  }
0x4d: {  	[smem:$0x743] =	sst s11;
	s0 =	smul.u32 $0x51EB851F, s0  }
0x4e: {  	(v2sf) =	vpush v2, $0x1;
	s9 =	smulhi.u32 $0x51EB851F, s12;
	s11 =	spop (v2sf)  }
0x4f: {  	[smem:$0x746] =	sst s0;
	s0 =	sshra.s32 s11, $0x1F  }
0x50: {  	(v2sf) =	vpush v2, $0x2;
	[smem:$0x745] =	sst s9;
	s0 =	smul.u32 $0x51EB851F, s0  }
0x51: {  	s9 =	spop (v2sf);
	s12 =	smulhi.u32 $0x51EB851F, s11  }
0x52: {  	s11 =	smulhi.u32 $0x51EB851F, s9;
	[smem:$0x748] =	sst s0;
	s0 =	sshra.s32 s9, $0x1F  }
0x53: {  	(v2sf) =	vpush v2, $0x3;
	[smem:$0x747] =	sst s12;
	s0 =	smul.u32 $0x51EB851F, s0  }
0x54: {  	s12 =	spop (v2sf);
	[smem:$0x749] =	sst s11  }
0x55: {  	s9 =	smulhi.u32 $0x51EB851F, s12;
	[smem:$0x74A] =	sst s0;
	s0 =	sshra.s32 s12, $0x1F  }
0x56: {  	s11 =	spop (v2sf);
	s0 =	smul.u32 $0x51EB851F, s0  }
0x57: {  	(v2sf) =	vpush v2, $0x4;
	[smem:$0x74B] =	sst s9;
	s12 =	smulhi.u32 $0x51EB851F, s11  }
0x58: {  	s9 =	spop (v2sf);
	[smem:$0x74C] =	sst s0;
	s0 =	sshra.s32 s11, $0x1F  }
0x59: {  	[smem:$0x74D] =	sst s12;
	s0 =	smul.u32 $0x51EB851F, s0  }
0x5a: {  	s12 =	spop (v2sf);
	s11 =	smulhi.u32 $0x51EB851F, s9  }
0x5b: {  	(v2sf) =	vpush v2, $0x5;
	[smem:$0x74E] =	sst s0;
	s0 =	sshra.s32 s9, $0x1F;
	s9 =	smulhi.u32 $0x51EB851F, s12  }
0x5c: {  	[smem:$0x74F] =	sst s11;
	s0 =	smul.u32 $0x51EB851F, s0  }
0x5d: {  	s11 =	spop (v2sf);
	[smem:$0x751] =	sst s9  }
0x5e: {  	s9 =	smulhi.u32 $0x51EB851F, s11;
	[smem:$0x750] =	sst s0;
	s0 =	sshra.s32 s12, $0x1F  }
0x5f: {  	(v2sf) =	vpush v2, $0x6;
	s12 =	spop (v2sf);
	s8 =	smul.u32 $0x51EB851F, s0  }
0x60: {  	s0 =	sshra.s32 s11, $0x1F;
	s11 =	smulhi.u32 $0x51EB851F, s12  }
0x61: {  	[smem:$0x752] =	sst s9;
	s9 =	smul.u32 $0x51EB851F, s0  }
0x62: {  	v4 =	vld [tilespmem:$0x20];
	[smem:$0x753] =	sst s11;
	s11 =	spop (v2sf)  }
0x63: {  	(v2sf) =	vpush v2, $0x7;
	s0 =	sshra.s32 s12, $0x1F;
	s12 =	smulhi.u32 $0x51EB851F, s11;
	s11 =	sshra.s32 s11, $0x1F  }
0x64: {  	s11 =	smul.u32 $0x51EB851F, s11;
	_ =	sdelay $0x1  }
0x65: {  	[smem:$0x755] =	sst s11;
	s11 =	spop (v2sf)  }
0x66: {  	(v2sf) =	vpush v4, $0xD;
	[smem:$0x754] =	sst s12;
	s12 =	smulhi.u32 $0x51EB851F, s11;
	s11 =	sshra.s32 s11, $0x1F  }
0x67: {  	s11 =	smul.u32 $0x51EB851F, s11;
	_ =	sdelay $0x1  }
0x68: {  	[smem:$0x757] =	sst s11;
	s11 =	spop (v2sf)  }
0x69: {  	(v2sf) =	vpush v4, $0xC;
	[smem:$0x756] =	sst s12;
	s12 =	smulhi.u32 $0x51EB851F, s11;
	s11 =	sshra.s32 s11, $0x1F  }
0x6a: {  	s11 =	smul.u32 $0x51EB851F, s11;
	_ =	sdelay $0x1  }
0x6b: {  	[smem:$0x759] =	sst s11;
	s11 =	spop (v2sf)  }
0x6c: {  	(v2sf) =	vpush v4, $0xE;
	[smem:$0x758] =	sst s12;
	s12 =	smulhi.u32 $0x51EB851F, s11;
	s11 =	sshra.s32 s11, $0x1F  }
0x6d: {  	s11 =	smul.u32 $0x51EB851F, s11;
	_ =	sdelay $0x1  }
0x6e: {  	[smem:$0x75B] =	sst s11;
	s11 =	spop (v2sf)  }
0x6f: {  	(v2sf) =	vpush v4, $0xF;
	[smem:$0x75A] =	sst s12;
	s12 =	smulhi.u32 $0x51EB851F, s11;
	s11 =	sshra.s32 s11, $0x1F  }
0x70: {  	s11 =	smul.u32 $0x51EB851F, s11;
	_ =	sdelay $0x1  }
0x71: {  	[smem:$0x75D] =	sst s11;
	s11 =	spop (v2sf)  }
0x72: {  	(v2sf) =	vpush v4, $0x9;
	[smem:$0x75C] =	sst s12;
	s12 =	smulhi.u32 $0x51EB851F, s11;
	s11 =	sshra.s32 s11, $0x1F  }
0x73: {  	s11 =	smul.u32 $0x51EB851F, s11;
	_ =	sdelay $0x1  }
0x74: {  	[smem:$0x75F] =	sst s11;
	s11 =	spop (v2sf)  }
0x75: {  	(v2sf) =	vpush v4, $0x8;
	[smem:$0x75E] =	sst s12;
	s12 =	smulhi.u32 $0x51EB851F, s11;
	s11 =	sshra.s32 s11, $0x1F  }
0x76: {  	s11 =	smul.u32 $0x51EB851F, s11;
	_ =	sdelay $0x1  }
0x77: {  	[smem:$0x761] =	sst s11;
	s11 =	spop (v2sf)  }
0x78: {  	(v2sf) =	vpush v4, $0xA;
	[smem:$0x760] =	sst s12;
	s12 =	smulhi.u32 $0x51EB851F, s11;
	s11 =	sshra.s32 s11, $0x1F  }
0x79: {  	s11 =	smul.u32 $0x51EB851F, s11;
	_ =	sdelay $0x1  }
0x7a: {  	[smem:$0x763] =	sst s11;
	s11 =	spop (v2sf)  }
0x7b: {  	(v2sf) =	vpush v4, $0xB;
	[smem:$0x762] =	sst s12;
	s12 =	smulhi.u32 $0x51EB851F, s11;
	s11 =	sshra.s32 s11, $0x1F  }
0x7c: {  	s11 =	smul.u32 $0x51EB851F, s11;
	_ =	sdelay $0x1  }
0x7d: {  	[smem:$0x765] =	sst s11;
	s11 =	spop (v2sf)  }
0x7e: {  	(v2sf) =	vpush v4, $0x0;
	[smem:$0x764] =	sst s12;
	s12 =	smulhi.u32 $0x51EB851F, s11;
	s11 =	sshra.s32 s11, $0x1F  }
0x7f: {  	s11 =	smul.u32 $0x51EB851F, s11;
	_ =	sdelay $0x1  }
0x80: {  	[smem:$0x767] =	sst s11;
	s11 =	spop (v2sf)  }
0x81: {  	(v2sf) =	vpush v4, $0x1;
	[smem:$0x766] =	sst s12;
	s12 =	smulhi.u32 $0x51EB851F, s11;
	s11 =	sshra.s32 s11, $0x1F  }
0x82: {  	s11 =	smul.u32 $0x51EB851F, s11;
	_ =	sdelay $0x1  }
0x83: {  	[smem:$0x769] =	sst s11;
	s11 =	spop (v2sf)  }
0x84: {  	(v2sf) =	vpush v4, $0x2;
	[smem:$0x768] =	sst s12;
	s12 =	smulhi.u32 $0x51EB851F, s11;
	s11 =	sshra.s32 s11, $0x1F  }
0x85: {  	s11 =	smul.u32 $0x51EB851F, s11;
	_ =	sdelay $0x1  }
0x86: {  	[smem:$0x76B] =	sst s11;
	s11 =	spop (v2sf)  }
0x87: {  	(v2sf) =	vpush v4, $0x3;
	[smem:$0x76A] =	sst s12;
	s12 =	smulhi.u32 $0x51EB851F, s11;
	s11 =	sshra.s32 s11, $0x1F  }
0x88: {  	s11 =	smul.u32 $0x51EB851F, s11;
	_ =	sdelay $0x1  }
0x89: {  	[smem:$0x76D] =	sst s11;
	s11 =	spop (v2sf)  }
0x8a: {  	(v2sf) =	vpush v4, $0x4;
	[smem:$0x76C] =	sst s12;
	s12 =	smulhi.u32 $0x51EB851F, s11;
	s11 =	sshra.s32 s11, $0x1F  }
0x8b: {  	s11 =	smul.u32 $0x51EB851F, s11;
	_ =	sdelay $0x1  }
0x8c: {  	[smem:$0x76F] =	sst s11;
	s11 =	spop (v2sf)  }
0x8d: {  	(v2sf) =	vpush v4, $0x5;
	[smem:$0x76E] =	sst s12;
	s12 =	smulhi.u32 $0x51EB851F, s11;
	s11 =	sshra.s32 s11, $0x1F  }
0x8e: {  	s11 =	smul.u32 $0x51EB851F, s11;
	_ =	sdelay $0x1  }
0x8f: {  	[smem:$0x771] =	sst s11;
	s11 =	spop (v2sf)  }
0x90: {  	(v2sf) =	vpush v4, $0x6;
	[smem:$0x770] =	sst s12;
	s12 =	smulhi.u32 $0x51EB851F, s11;
	s11 =	sshra.s32 s11, $0x1F  }
0x91: {  	s11 =	smul.u32 $0x51EB851F, s11;
	_ =	sdelay $0x1  }
0x92: {  	v6 =	vld [tilespmem:$0x30];
	[smem:$0x773] =	sst s11;
	s11 =	spop (v2sf)  }
0x93: {  	(v2sf) =	vpush v4, $0x7;
	[smem:$0x772] =	sst s12;
	s12 =	smulhi.u32 $0x51EB851F, s11;
	s11 =	sshra.s32 s11, $0x1F  }
0x94: {  	s11 =	smul.u32 $0x51EB851F, s11;
	_ =	sdelay $0x1  }
0x95: {  	[smem:$0x775] =	sst s11;
	s11 =	spop (v2sf)  }
0x96: {  	(v2sf) =	vpush v6, $0xD;
	[smem:$0x774] =	sst s12;
	s12 =	smulhi.u32 $0x51EB851F, s11;
	s11 =	sshra.s32 s11, $0x1F  }
0x97: {  	s11 =	smul.u32 $0x51EB851F, s11;
	_ =	sdelay $0x1  }
0x98: {  	[smem:$0x777] =	sst s11;
	s11 =	spop (v2sf)  }
0x99: {  	(v2sf) =	vpush v6, $0xC;
	[smem:$0x776] =	sst s12;
	s12 =	smulhi.u32 $0x51EB851F, s11;
	s11 =	sshra.s32 s11, $0x1F  }
0x9a: {  	s11 =	smul.u32 $0x51EB851F, s11;
	_ =	sdelay $0x1  }
0x9b: {  	[smem:$0x779] =	sst s11;
	s11 =	spop (v2sf)  }
0x9c: {  	(v2sf) =	vpush v6, $0xE;
	[smem:$0x778] =	sst s12;
	s12 =	smulhi.u32 $0x51EB851F, s11;
	s11 =	sshra.s32 s11, $0x1F  }
0x9d: {  	s11 =	smul.u32 $0x51EB851F, s11;
	_ =	sdelay $0x1  }
0x9e: {  	[smem:$0x77B] =	sst s11;
	s11 =	spop (v2sf)  }
0x9f: {  	(v2sf) =	vpush v6, $0xF;
	[smem:$0x77A] =	sst s12;
	s12 =	smulhi.u32 $0x51EB851F, s11;
	s11 =	sshra.s32 s11, $0x1F  }
0xa0: {  	s11 =	smul.u32 $0x51EB851F, s11;
	_ =	sdelay $0x1  }
0xa1: {  	[smem:$0x77D] =	sst s11;
	s11 =	spop (v2sf)  }
0xa2: {  	(v2sf) =	vpush v6, $0x9;
	[smem:$0x77C] =	sst s12;
	s12 =	smulhi.u32 $0x51EB851F, s11;
	s11 =	sshra.s32 s11, $0x1F  }
0xa3: {  	s11 =	smul.u32 $0x51EB851F, s11;
	_ =	sdelay $0x1  }
0xa4: {  	[smem:$0x77F] =	sst s11;
	s11 =	spop (v2sf)  }
0xa5: {  	(v2sf) =	vpush v6, $0x8;
	[smem:$0x77E] =	sst s12;
	s12 =	smulhi.u32 $0x51EB851F, s11;
	s11 =	sshra.s32 s11, $0x1F  }
0xa6: {  	s11 =	smul.u32 $0x51EB851F, s11;
	_ =	sdelay $0x1  }
0xa7: {  	[smem:$0x781] =	sst s11;
	s11 =	spop (v2sf)  }
0xa8: {  	(v2sf) =	vpush v6, $0xA;
	[smem:$0x780] =	sst s12;
	s12 =	smulhi.u32 $0x51EB851F, s11;
	s11 =	sshra.s32 s11, $0x1F  }
0xa9: {  	s11 =	smul.u32 $0x51EB851F, s11;
	_ =	sdelay $0x1  }
0xaa: {  	[smem:$0x783] =	sst s11;
	s11 =	spop (v2sf)  }
0xab: {  	(v2sf) =	vpush v6, $0xB;
	[smem:$0x782] =	sst s12;
	s12 =	smulhi.u32 $0x51EB851F, s11;
	s11 =	sshra.s32 s11, $0x1F  }
0xac: {  	s11 =	smul.u32 $0x51EB851F, s11;
	_ =	sdelay $0x1  }
0xad: {  	[smem:$0x785] =	sst s11;
	s11 =	spop (v2sf)  }
0xae: {  	(v2sf) =	vpush v6, $0x0;
	[smem:$0x784] =	sst s12;
	s12 =	smulhi.u32 $0x51EB851F, s11;
	s11 =	sshra.s32 s11, $0x1F  }
0xaf: {  	s11 =	smul.u32 $0x51EB851F, s11;
	_ =	sdelay $0x1  }
0xb0: {  	[smem:$0x787] =	sst s11;
	s11 =	spop (v2sf)  }
0xb1: {  	[smem:$0x786] =	sst s12;
	s12 =	smulhi.u32 $0x51EB851F, s11;
	s11 =	sshra.s32 s11, $0x1F  }
0xb2: {  	s11 =	smul.u32 $0x51EB851F, s11;
	_ =	sdelay $0x1  }
0xb3: {  	[smem:$0x789] =	sst s11;
	s11 =	spop (v2sf)  }
0xb4: {  	[smem:$0x788] =	sst s12;
	s12 =	smulhi.u32 $0x51EB851F, s11;
	s11 =	sshra.s32 s11, $0x1F  }
0xb5: {  	s11 =	smul.u32 $0x51EB851F, s11;
	_ =	sdelay $0x1  }
0xb6: {  	[smem:$0x78B] =	sst s11;
	s11 =	spop (v2sf)  }
0xb7: {  	(v2sf) =	vpush v6, $0x1;
	[smem:$0x78A] =	sst s12;
	s12 =	smulhi.u32 $0x51EB851F, s11;
	s11 =	sshra.s32 s11, $0x1F  }
0xb8: {  	(v2sf) =	vpush v6, $0x2;
	s11 =	smul.u32 $0x51EB851F, s11  }
0xb9: {  	(v2sf) =	vpush v6, $0x3  }
0xba: {  	(v2sf) =	vpush v6, $0x4;
	[smem:$0x78D] =	sst s11;
	s11 =	spop (v2sf)  }
0xbb: {  	(v2sf) =	vpush v6, $0x5;
	[smem:$0x78C] =	sst s12;
	s12 =	smulhi.u32 $0x51EB851F, s11  }
0xbc: {  	(v2sf) =	vpush v6, $0x6  }
0xbd: {  	v5 =	vld [tilespmem:$0x40];
	s13 =	sadd.s32 s16, s13;
	(v2sf) =	vpush v6, $0x7;
	[smem:$0x78E] =	sst s12  }
0xbe: {  	s15 =	sadd.s32 s18, s15;
	[smem:$0x7B3] =	sst s13  }
0xbf: {  	s17 =	sadd.s32 s20, s17;
	[smem:$0x7B6] =	sst s15  }
0xc0: {  	s18 =	sadd.s32 s22, s19;
	[smem:$0x7B8] =	sst s17  }
0xc1: {  	s24 =	sadd.s32 s24, s21;
	[smem:$0x7BB] =	sst s18  }
0xc2: {  	s10 =	sadd.s32 s10, s28;
	[smem:$0x7B9] =	sst s24  }
0xc3: {  	s1 =	sadd.s32 s1, s30;
	[smem:$0x7B4] =	sst s10  }
0xc4: {  	s3 =	sadd.s32 s3, s31;
	[smem:$0x7B7] =	sst s1  }
0xc5: {  	[smem:$0x7BA] =	sst s3  }
0xc6: {  	s15 =	sadd.s32 s26, s23;
	s12 =	sld [smem:$0x73B]  }
0xc7: {  	s17 =	sadd.s32 s29, s25;
	[smem:$0x7BC] =	sst s15  }
0xc8: {  	[smem:$0x7BE] =	sst s17  }
0xc9: {  	s26 =	sld [smem:$0x73C]  }
0xca: {  	s28 =	sld [smem:$0x73D]  }
0xcb: {  	s30 =	sld [smem:$0x73E]  }
0xcc: {  	s11 =	sshra.s32 s11, $0x1F;
	s31 =	sld [smem:$0x73F]  }
0xcd: {  	s17 =	sld [smem:$0x741];
	s12 =	sadd.s32 s14, s12;
	s14 =	smul.u32 $0x51EB851F, s11  }
0xce: {  	s11 =	spop (v2sf);
	s3 =	sadd.s32 s4, s26;
	s26 =	sld [smem:$0x744]  }
0xcf: {  	s2 =	sadd.s32 s2, s31;
	[smem:$0x7B5] =	sst s12;
	s13 =	smulhi.u32 $0x51EB851F, s11  }
0xd0: {  	s11 =	sshra.s32 s11, $0x1F;
	s16 =	spop (v2sf);
	[smem:$0x7BD] =	sst s3  }
0xd1: {  	s3 =	sadd.s32 s7, s28;
	[smem:$0x7C1] =	sst s2;
	s11 =	smul.u32 $0x51EB851F, s11  }
0xd2: {  	s20 =	smulhi.u32 $0x51EB851F, s16;
	[smem:$0x7BF] =	sst s3  }
0xd3: {  	s19 =	spop (v2sf);
	s3 =	sadd.s32 s6, s30;
	s30 =	sld [smem:$0x746]  }
0xd4: {  	(v2sf) =	vpush v5, $0xD;
	s21 =	smulhi.u32 $0x51EB851F, s19;
	[smem:$0x78F] =	sst s11;
	s11 =	sshra.s32 s16, $0x1F  }
0xd5: {  	s16 =	spop (v2sf);
	s22 =	smul.u32 $0x51EB851F, s11  }
0xd6: {  	[smem:$0x7C0] =	sst s3;
	s11 =	sshra.s32 s19, $0x1F;
	s12 =	smulhi.u32 $0x51EB851F, s16  }
0xd7: {  	s18 =	spop (v2sf);
	s23 =	smul.u32 $0x51EB851F, s11  }
0xd8: {  	(v2sf) =	vpush v5, $0xC;
	s11 =	sshra.s32 s16, $0x1F;
	s24 =	smulhi.u32 $0x51EB851F, s18;
	s16 =	sld [smem:$0x740]  }
0xd9: {  	s19 =	sshra.s32 s18, $0x1F;
	s25 =	spop (v2sf);
	s18 =	sld [smem:$0x742]  }
0xda: {  	s4 =	smulhi.u32 $0x51EB851F, s25;
	s1 =	sshra.s32 s25, $0x1F;
	s29 =	spop (v2sf)  }
0xdb: {  	(v2sf) =	vpush v5, $0xE;
	s25 =	sld [smem:$0x743];
	s7 =	smul.u32 $0x51EB851F, s1  }
0xdc: {  	s6 =	smulhi.u32 $0x51EB851F, s29;
	s1 =	sshra.s32 s29, $0x1F;
	s29 =	sld [smem:$0x745]  }
0xdd: {  	s2 =	sadd.s32 s5, s16;
	s16 =	sld [smem:$0x748]  }
0xde: {  	s1 =	smul.u32 $0x51EB851F, s1;
	[smem:$0x7B2] =	sst s2  }
0xdf: {  	s2 =	sadd.s32 s18, s17;
	s18 =	sld [smem:$0x749]  }
0xe0: {  	[smem:$0x790] =	sst s1  }
0xe1: {  	(v2sf) =	vpush v5, $0xF;
	[smem:$0x7C4] =	sst s2  }
0xe2: {  	s10 =	smul.u32 $0x51EB851F, s19;
	s2 =	sadd.s32 s26, s25;
	s26 =	sld [smem:$0x74B]  }
0xe3: {  	s15 =	spop (v2sf);
	[smem:$0x7C5] =	sst s2  }
0xe4: {  	s2 =	sadd.s32 s30, s29;
	s30 =	sld [smem:$0x74D];
	s1 =	sshra.s32 s15, $0x1F  }
0xe5: {  	[smem:$0x7C7] =	sst s2;
	s1 =	smul.u32 $0x51EB851F, s1  }
0xe6: {  	s5 =	smulhi.u32 $0x51EB851F, s15;
	s15 =	sld [smem:$0x747]  }
0xe7: {  	s19 =	spop (v2sf);
	[smem:$0x791] =	sst s1  }
0xe8: {  	s28 =	smulhi.u32 $0x51EB851F, s19;
	s1 =	sshra.s32 s19, $0x1F;
	s19 =	sld [smem:$0x74A]  }
0xe9: {  	s2 =	sadd.s32 s16, s15;
	s16 =	sld [smem:$0x74F]  }
0xea: {  	s31 =	spop (v2sf);
	[smem:$0x7C9] =	sst s2  }
0xeb: {  	s1 =	smul.u32 $0x51EB851F, s1;
	[smem:$0x792] =	sst s28  }
0xec: {  	s17 =	smulhi.u32 $0x51EB851F, s31;
	s28 =	sld [smem:$0x74C]  }
0xed: {  	(v2sf) =	vpush v5, $0x9;
	[smem:$0x793] =	sst s1  }
0xee: {  	[smem:$0x794] =	sst s17  }
0xef: {  	s1 =	sshra.s32 s31, $0x1F;
	s31 =	sld [smem:$0x74E]  }
0xf0: {  	(v2sf) =	vpush v5, $0x8;
	s25 =	spop (v2sf);
	s17 =	sld [smem:$0x750]  }
0xf1: {  	(v2sf) =	vpush v5, $0xA;
	s29 =	smulhi.u32 $0x51EB851F, s25;
	s2 =	sadd.s32 s19, s18;
	s18 =	sld [smem:$0x751]  }
0xf2: {  	(v2sf) =	vpush v5, $0xB;
	[smem:$0x7CC] =	sst s2  }
0xf3: {  	s1 =	smul.u32 $0x51EB851F, s1;
	[smem:$0x796] =	sst s29  }
0xf4: {  	s2 =	sadd.s32 s28, s26;
	s26 =	sld [smem:$0x753]  }
0xf5: {  	[smem:$0x795] =	sst s1  }
0xf6: {  	[smem:$0x7CA] =	sst s2  }
0xf7: {  	s1 =	sshra.s32 s25, $0x1F;
	s25 =	sld [smem:$0x752]  }
0xf8: {  	s2 =	sadd.s32 s31, s30;
	s30 =	sld [smem:$0x754]  }
0xf9: {  	s31 =	sld [smem:$0x755]  }
0xfa: {  	[smem:$0x7CE] =	sst s2  }
0xfb: {  	s0 =	smul.u32 $0x51EB851F, s0;
	s2 =	sadd.s32 s17, s16;
	s16 =	sld [smem:$0x757]  }
0xfc: {  	s15 =	spop (v2sf);
	[smem:$0x7D0] =	sst s2  }
0xfd: {  	s1 =	smul.u32 $0x51EB851F, s1;
	s2 =	sadd.s32 s8, s18;
	s18 =	sld [smem:$0x758]  }
0xfe: {  	s3 =	smulhi.u32 $0x51EB851F, s15;
	s0 =	sadd.s32 s0, s26;
	s26 =	sld [smem:$0x75A]  }
0xff: {  	s19 =	spop (v2sf);
	[smem:$0x797] =	sst s1  }
0x100: {  	s29 =	spop (v2sf);
	[smem:$0x7C3] =	sst s2  }
0x101: {  	(v2sf) =	vpush v5, $0x0;
	s17 =	spop (v2sf);
	s1 =	sshra.s32 s15, $0x1F;
	[smem:$0x7C8] =	sst s0  }
0x102: {  	s2 =	sadd.s32 s9, s25;
	s9 =	smulhi.u32 $0x51EB851F, s19;
	s15 =	sld [smem:$0x756]  }
0x103: {  	s25 =	smulhi.u32 $0x51EB851F, s17;
	[smem:$0x7C6] =	sst s2  }
0x104: {  	s8 =	smul.u32 $0x51EB851F, s1;
	s1 =	sshra.s32 s19, $0x1F;
	s19 =	sld [smem:$0x759]  }
0x105: {  	[smem:$0x79B] =	sst s25  }
0x106: {  	(v2sf) =	vpush v5, $0x1;
	s28 =	smul.u32 $0x51EB851F, s1;
	s1 =	sadd.s32 s31, s30;
	s30 =	sld [smem:$0x75C]  }
0x107: {  	s0 =	sshra.s32 s29, $0x1F;
	s2 =	smulhi.u32 $0x51EB851F, s29;
	s31 =	sld [smem:$0x75D]  }
0x108: {  	s0 =	smul.u32 $0x51EB851F, s0;
	[smem:$0x7CB] =	sst s1  }
0x109: {  	[smem:$0x799] =	sst s2  }
0x10a: {  	(v2sf) =	vpush v5, $0x2;
	[smem:$0x79A] =	sst s0  }
0x10b: {  	s1 =	sadd.s32 s16, s15;
	s15 =	sld [smem:$0x75E]  }
0x10c: {  	s16 =	sld [smem:$0x75F]  }
0x10d: {  	[smem:$0x798] =	sst s28  }
0x10e: {  	[smem:$0x7CD] =	sst s1  }
0x10f: {  	s28 =	sld [smem:$0x75B]  }
0x110: {  	s29 =	spop (v2sf);
	s1 =	sadd.s32 s19, s18;
	s18 =	sld [smem:$0x760]  }
0x111: {  	s0 =	sshra.s32 s17, $0x1F;
	s2 =	smulhi.u32 $0x51EB851F, s29;
	s19 =	sld [smem:$0x761]  }
0x112: {  	s0 =	smul.u32 $0x51EB851F, s0;
	[smem:$0x7CF] =	sst s1  }
0x113: {  	[smem:$0x79D] =	sst s2  }
0x114: {  	[smem:$0x79C] =	sst s0  }
0x115: {  	(v2sf) =	vpush v5, $0x3;
	s17 =	spop (v2sf);
	s1 =	sadd.s32 s28, s26;
	s26 =	sld [smem:$0x762]  }
0x116: {  	s25 =	smulhi.u32 $0x51EB851F, s17;
	s28 =	sld [smem:$0x763]  }
0x117: {  	[smem:$0x7D1] =	sst s1  }
0x118: {  	s0 =	sshra.s32 s29, $0x1F;
	[smem:$0x79F] =	sst s25  }
0x119: {  	s29 =	spop (v2sf);
	s1 =	sadd.s32 s31, s30;
	s30 =	sld [smem:$0x764]  }
0x11a: {  	s0 =	smul.u32 $0x51EB851F, s0;
	s31 =	sld [smem:$0x765]  }
0x11b: {  	s2 =	smulhi.u32 $0x51EB851F, s29;
	[smem:$0x7C2] =	sst s1  }
0x11c: {  	[smem:$0x79E] =	sst s0  }
0x11d: {  	[smem:$0x7A1] =	sst s2  }
0x11e: {  	s1 =	sadd.s32 s16, s15;
	s15 =	sld [smem:$0x766]  }
0x11f: {  	s16 =	sld [smem:$0x767]  }
0x120: {  	[smem:$0x7D2] =	sst s1  }
0x121: {  	(v2sf) =	vpush v5, $0x4;
	s1 =	sadd.s32 s19, s18;
	s18 =	sld [smem:$0x768]  }
0x122: {  	s19 =	sld [smem:$0x769]  }
0x123: {  	s0 =	sshra.s32 s17, $0x1F;
	[smem:$0x7D3] =	sst s1  }
0x124: {  	s17 =	spop (v2sf);
	s1 =	sadd.s32 s28, s26;
	s26 =	sld [smem:$0x76A]  }
0x125: {  	s0 =	smul.u32 $0x51EB851F, s0;
	s28 =	sld [smem:$0x76B]  }
0x126: {  	s25 =	smulhi.u32 $0x51EB851F, s17;
	[smem:$0x7D6] =	sst s1  }
0x127: {  	[smem:$0x7A0] =	sst s0  }
0x128: {  	[smem:$0x7A3] =	sst s25  }
0x129: {  	s1 =	sadd.s32 s31, s30;
	s30 =	sld [smem:$0x76C]  }
0x12a: {  	s31 =	sld [smem:$0x76D]  }
0x12b: {  	[smem:$0x7D7] =	sst s1  }
0x12c: {  	(v2sf) =	vpush v5, $0x5;
	s1 =	sadd.s32 s16, s15;
	s15 =	sld [smem:$0x76E]  }
0x12d: {  	s16 =	sld [smem:$0x76F]  }
0x12e: {  	s0 =	sshra.s32 s29, $0x1F;
	[smem:$0x7DC] =	sst s1  }
0x12f: {  	s0 =	smul.u32 $0x51EB851F, s0;
	s1 =	sadd.s32 s19, s18;
	s18 =	sld [smem:$0x770]  }
0x130: {  	s29 =	spop (v2sf);
	s19 =	sld [smem:$0x771]  }
0x131: {  	s2 =	smulhi.u32 $0x51EB851F, s29;
	[smem:$0x7A2] =	sst s0  }
0x132: {  	[smem:$0x7DA] =	sst s1  }
0x133: {  	[smem:$0x7A5] =	sst s2  }
0x134: {  	s1 =	sadd.s32 s28, s26;
	s26 =	sld [smem:$0x772]  }
0x135: {  	s28 =	sld [smem:$0x773]  }
0x136: {  	[smem:$0x7DE] =	sst s1  }
0x137: {  	(v2sf) =	vpush v5, $0x6;
	s1 =	sadd.s32 s31, s30;
	s30 =	sld [smem:$0x774]  }
0x138: {  	s31 =	sld [smem:$0x775]  }
0x139: {  	s0 =	sshra.s32 s17, $0x1F;
	[smem:$0x7E0] =	sst s1  }
0x13a: {  	s0 =	smul.u32 $0x51EB851F, s0;
	s1 =	sadd.s32 s16, s15;
	s15 =	sld [smem:$0x776]  }
0x13b: {  	s17 =	spop (v2sf);
	s16 =	sld [smem:$0x777]  }
0x13c: {  	s25 =	smulhi.u32 $0x51EB851F, s17;
	[smem:$0x7A4] =	sst s0  }
0x13d: {  	[smem:$0x7D5] =	sst s1  }
0x13e: {  	[smem:$0x7A7] =	sst s25  }
0x13f: {  	s1 =	sadd.s32 s19, s18;
	s18 =	sld [smem:$0x778]  }
0x140: {  	(v2sf) =	vpush v5, $0x7;
	s19 =	sld [smem:$0x779]  }
0x141: {  	[smem:$0x7D8] =	sst s1  }
0x142: {  	s1 =	sadd.s32 s28, s26;
	s26 =	sld [smem:$0x77A]  }
0x143: {  	s28 =	sld [smem:$0x77B]  }
0x144: {  	v7 =	vld [tilespmem:$0x50];
	s0 =	sshra.s32 s29, $0x1F;
	[smem:$0x7D9] =	sst s1  }
0x145: {  	s0 =	smul.u32 $0x51EB851F, s0;
	s1 =	sadd.s32 s31, s30;
	s30 =	sld [smem:$0x77C]  }
0x146: {  	s29 =	spop (v2sf);
	s31 =	sld [smem:$0x77D]  }
0x147: {  	s2 =	smulhi.u32 $0x51EB851F, s29;
	[smem:$0x7A6] =	sst s0  }
0x148: {  	[smem:$0x7DB] =	sst s1  }
0x149: {  	(v2sf) =	vpush v7, $0xD;
	[smem:$0x7A9] =	sst s2  }
0x14a: {  	s1 =	sadd.s32 s16, s15;
	s15 =	sld [smem:$0x77E]  }
0x14b: {  	s16 =	sld [smem:$0x77F]  }
0x14c: {  	[smem:$0x7DD] =	sst s1  }
0x14d: {  	s1 =	sadd.s32 s19, s18;
	s18 =	sld [smem:$0x780]  }
0x14e: {  	s19 =	sld [smem:$0x781]  }
0x14f: {  	s0 =	sshra.s32 s17, $0x1F;
	s17 =	spop (v2sf);
	[smem:$0x7DF] =	sst s1  }
0x150: {  	s0 =	smul.u32 $0x51EB851F, s0;
	s1 =	sadd.s32 s28, s26;
	s26 =	sld [smem:$0x782]  }
0x151: {  	s25 =	smulhi.u32 $0x51EB851F, s17;
	s28 =	sld [smem:$0x783]  }
0x152: {  	[smem:$0x7A8] =	sst s0  }
0x153: {  	[smem:$0x7AB] =	sst s25  }
0x154: {  	[smem:$0x7E1] =	sst s1  }
0x155: {  	(v2sf) =	vpush v7, $0xC;
	s1 =	sadd.s32 s31, s30;
	s30 =	sld [smem:$0x784]  }
0x156: {  	s31 =	sld [smem:$0x785]  }
0x157: {  	s0 =	sshra.s32 s29, $0x1F;
	[smem:$0x7D4] =	sst s1  }
0x158: {  	s29 =	spop (v2sf);
	s1 =	sadd.s32 s16, s15;
	s16 =	sld [smem:$0x786]  }
0x159: {  	(v2sf) =	vpush v7, $0xE;
	s0 =	smul.u32 $0x51EB851F, s0;
	[smem:$0x7E2] =	sst s1  }
0x15a: {  	s2 =	smulhi.u32 $0x51EB851F, s29;
	s1 =	sadd.s32 s19, s18;
	s18 =	sld [smem:$0x787]  }
0x15b: {  	[smem:$0x7AA] =	sst s0  }
0x15c: {  	[smem:$0x7AD] =	sst s2  }
0x15d: {  	[smem:$0x7E4] =	sst s1  }
0x15e: {  	s1 =	sadd.s32 s28, s26;
	s26 =	sld [smem:$0x789]  }
0x15f: {  	(v2sf) =	vpush v7, $0xF;
	s2 =	sadd.s32 s22, s20;
	s22 =	sadd.s32 s7, s4;
	s4 =	sld [smem:$0x791]  }
0x160: {  	s7 =	sld [smem:$0x793]  }
0x161: {  	[smem:$0x7E6] =	sst s1  }
0x162: {  	s1 =	sadd.s32 s31, s30;
	s30 =	sld [smem:$0x78B]  }
0x163: {  	[smem:$0x7EA] =	sst s2  }
0x164: {  	s0 =	sshra.s32 s17, $0x1F;
	s17 =	spop (v2sf);
	[smem:$0x7F1] =	sst s22  }
0x165: {  	s0 =	smul.u32 $0x51EB851F, s0;
	s2 =	sld [smem:$0x790]  }
0x166: {  	s25 =	smulhi.u32 $0x51EB851F, s17;
	[smem:$0x7E7] =	sst s1  }
0x167: {  	s1 =	sadd.s32 s18, s16;
	[smem:$0x7AC] =	sst s0  }
0x168: {  	s0 =	sshra.s32 s29, $0x1F;
	[smem:$0x7AF] =	sst s25;
	s29 =	spop (v2sf)  }
0x169: {  	[smem:$0x7E9] =	sst s1;
	s0 =	smul.u32 $0x51EB851F, s0  }
0x16a: {  	(v2sf) =	vpush v7, $0x9;
	s25 =	sld [smem:$0x788];
	s15 =	smulhi.u32 $0x51EB851F, s29  }
0x16b: {  	[smem:$0x7AE] =	sst s0  }
0x16c: {  	(v2sf) =	vpush v7, $0x8;
	[smem:$0x7B0] =	sst s15  }
0x16d: {  	s1 =	sadd.s32 s26, s25;
	s25 =	sld [smem:$0x78D]  }
0x16e: {  	s19 =	spop (v2sf);
	s26 =	sld [smem:$0x78E]  }
0x16f: {  	s28 =	smulhi.u32 $0x51EB851F, s19;
	s0 =	sshra.s32 s17, $0x1F;
	[smem:$0x7EB] =	sst s1  }
0x170: {  	s17 =	smul.u32 $0x51EB851F, s0;
	s0 =	sshra.s32 s29, $0x1F;
	s29 =	sld [smem:$0x78A]  }
0x171: {  	[smem:$0x7B1] =	sst s28  }
0x172: {  	(v2sf) =	vpush v7, $0xA;
	s18 =	smul.u32 $0x51EB851F, s0;
	s0 =	sshra.s32 s19, $0x1F;
	s19 =	sld [smem:$0x78C]  }
0x173: {  	s11 =	smul.u32 $0x51EB851F, s11;
	s1 =	sadd.s32 s30, s29;
	s30 =	sld [smem:$0x78F]  }
0x174: {  	(v2sf) =	vpush v7, $0xB;
	[smem:$0x7ED] =	sst s1  }
0x175: {  	s1 =	sadd.s32 s25, s19;
	s19 =	sadd.s32 s11, s12;
	s11 =	sld [smem:$0x795]  }
0x176: {  	(v2sf) =	vpush v7, $0x0;
	[smem:$0x7F0] =	sst s1  }
0x177: {  	s1 =	sadd.s32 s14, s26;
	[smem:$0x7EE] =	sst s19  }
0x178: {  	s14 =	sadd.s32 s23, s21;
	s21 =	sadd.s32 s10, s24;
	s10 =	sld [smem:$0x794]  }
0x179: {  	(v2sf) =	vpush v7, $0x1;
	s31 =	spop (v2sf);
	s19 =	sadd.s32 s8, s3;
	s3 =	sld [smem:$0x798]  }
0x17a: {  	s16 =	smulhi.u32 $0x51EB851F, s31;
	s8 =	sld [smem:$0x79C]  }
0x17b: {  	s28 =	spop (v2sf);
	[smem:$0x7E5] =	sst s1  }
0x17c: {  	s15 =	smul.u32 $0x51EB851F, s0;
	s0 =	sshra.s32 s31, $0x1F;
	[smem:$0x7EC] =	sst s14  }
0x17d: {  	(v2sf) =	vpush v7, $0x2;
	s31 =	smul.u32 $0x51EB851F, s0;
	[smem:$0x7EF] =	sst s21  }
0x17e: {  	s29 =	smulhi.u32 $0x51EB851F, s28;
	s14 =	sld [smem:$0x797]  }
0x17f: {  	(v2sf) =	vpush v7, $0x3;
	s0 =	sshra.s32 s28, $0x1F;
	s16 =	sadd.s32 s31, s16;
	[dreg:$0x1d] =	wrdreg s19  }
0x180: {  	s1 =	sadd.s32 s30, s13;
	s30 =	smul.u32 $0x51EB851F, s0;
	s19 =	sld [smem:$0x79E]  }
0x181: {  	(v2sf) =	vpush v7, $0x4;
	s13 =	spop (v2sf);
	[dreg:$0x12] =	wrdreg s16  }
0x182: {  	[smem:$0x7E8] =	sst s1;
	s26 =	smulhi.u32 $0x51EB851F, s13;
	s0 =	sshra.s32 s13, $0x1F  }
0x183: {  	s20 =	spop (v2sf);
	s1 =	sadd.s32 s2, s6;
	s6 =	sld [smem:$0x792]  }
0x184: {  	s13 =	sld [smem:$0x796];
	s28 =	smul.u32 $0x51EB851F, s0  }
0x185: {  	s0 =	sshra.s32 s20, $0x1F;
	s23 =	spop (v2sf);
	[smem:$0x7E3] =	sst s1  }
0x186: {  	(v2sf) =	vpush v7, $0x5;
	s1 =	sadd.s32 s4, s5;
	s4 =	sld [smem:$0x799];
	s22 =	smul.u32 $0x51EB851F, s0  }
0x187: {  	s24 =	smulhi.u32 $0x51EB851F, s23;
	s0 =	sshra.s32 s23, $0x1F;
	[smem:$0x7F4] =	sst s1  }
0x188: {  	s5 =	spop (v2sf);
	s23 =	smul.u32 $0x51EB851F, s0  }
0x189: {  	s21 =	smulhi.u32 $0x51EB851F, s5;
	s0 =	sshra.s32 s5, $0x1F;
	s5 =	sld [smem:$0x79A]  }
0x18a: {  	s25 =	smulhi.u32 $0x51EB851F, s20;
	s1 =	sadd.s32 s7, s6;
	s7 =	sld [smem:$0x79B]  }
0x18b: {  	[smem:$0x7F5] =	sst s1;
	s1 =	sadd.s32 s11, s10;
	s20 =	smul.u32 $0x51EB851F, s0  }
0x18c: {  	(v2sf) =	vpush v7, $0x6;
	s12 =	spop (v2sf);
	[smem:$0x7F8] =	sst s1;
	s1 =	sadd.s32 s14, s13  }
0x18d: {  	s14 =	smulhi.u32 $0x51EB851F, s12;
	s0 =	sshra.s32 s12, $0x1F;
	[dreg:$0x1f] =	wrdreg s1  }
0x18e: {  	s2 =	spop (v2sf);
	s1 =	sadd.s32 s3, s9;
	s9 =	sld [smem:$0x79D]  }
0x18f: {  	s12 =	smul.u32 $0x51EB851F, s0;
	s0 =	sshra.s32 s2, $0x1F;
	[smem:$0x7F9] =	sst s1  }
0x190: {  	s6 =	spop (v2sf);
	s1 =	sadd.s32 s5, s4;
	s4 =	sld [smem:$0x79F]  }
0x191: {  	(v2sf) =	vpush v7, $0x7;
	s10 =	smul.u32 $0x51EB851F, s0;
	s5 =	sld [smem:$0x7A0]  }
0x192: {  	s11 =	smulhi.u32 $0x51EB851F, s6;
	s0 =	sshra.s32 s6, $0x1F;
	s6 =	sld [smem:$0x7A1]  }
0x193: {  	[dreg:$0x1e] =	wrdreg s1  }
0x194: {  	s1 =	sadd.s32 s8, s7;
	s8 =	smul.u32 $0x51EB851F, s0;
	s7 =	sld [smem:$0x7A2]  }
0x195: {  	s3 =	spop (v2sf);
	[dreg:$0x1b] =	wrdreg s1;
	s1 =	sadd.s32 s19, s9  }
0x196: {  	s9 =	smulhi.u32 $0x51EB851F, s3;
	s0 =	sshra.s32 s3, $0x1F;
	s3 =	sld [smem:$0x7A3]  }
0x197: {  	[smem:$0x7F2] =	sst s1  }
0x198: {  	s1 =	sadd.s32 s5, s4;
	s4 =	sld [smem:$0x7A4]  }
0x199: {  	s5 =	sld [smem:$0x7A5]  }
0x19a: {  	[smem:$0x7F3] =	sst s1;
	s1 =	sadd.s32 s7, s6;
	s6 =	smul.u32 $0x51EB851F, s0  }
0x19b: {  	[smem:$0x7F6] =	sst s1;
	s19 =	spop (v2sf)  }
0x19c: {  	s7 =	smulhi.u32 $0x51EB851F, s19;
	s0 =	sshra.s32 s19, $0x1F;
	s19 =	sld [smem:$0x7A6]  }
0x19d: {  	v8 =	vld [tilespmem:$0x60];
	s1 =	sadd.s32 s4, s3;
	s4 =	sld [smem:$0x7A7]  }
0x19e: {  	[smem:$0x7FA] =	sst s1  }
0x19f: {  	s31 =	sadd.s32 s30, s29;
	s1 =	sadd.s32 s19, s5;
	s19 =	sld [smem:$0x7A8]  }
0x1a0: {  	[dreg:$0xf] =	wrdreg s31;
	s3 =	spop (v2sf)  }
0x1a1: {  	s5 =	smul.u32 $0x51EB851F, s0;
	s0 =	sshra.s32 s3, $0x1F;
	[smem:$0x7FB] =	sst s1  }
0x1a2: {  	(v2sf) =	vpush v8, $0xD;
	s1 =	sadd.s32 s19, s4;
	s4 =	smulhi.u32 $0x51EB851F, s3;
	s3 =	sld [smem:$0x7A9]  }
0x1a3: {  	s19 =	sld [smem:$0x7AA]  }
0x1a4: {  	s13 =	smulhi.u32 $0x51EB851F, s2;
	s2 =	sld [smem:$0x7AB]  }
0x1a5: {  	(v2sf) =	vpush v8, $0xC;
	[smem:$0x7FC] =	sst s1  }
0x1a6: {  	s26 =	sadd.s32 s28, s26;
	s1 =	sadd.s32 s19, s3;
	s19 =	sld [smem:$0x7AC]  }
0x1a7: {  	[dreg:$0xd] =	wrdreg s26  }
0x1a8: {  	(v2sf) =	vpush v8, $0xE;
	[smem:$0x7FD] =	sst s1  }
0x1a9: {  	s1 =	sadd.s32 s19, s2;
	s19 =	sld [smem:$0x7AE]  }
0x1aa: {  	(v2sf) =	vpush v8, $0xF;
	[smem:$0x7F7] =	sst s1  }
0x1ab: {  	s23 =	sadd.s32 s23, s24;
	(v2sf) =	vpush v8, $0x9;
	s1 =	sld [smem:$0x7AD]  }
0x1ac: {  	[dreg:$0x19] =	wrdreg s23;
	s20 =	sadd.s32 s20, s21  }
0x1ad: {  	[dreg:$0x14] =	wrdreg s20  }
0x1ae: {  	(v2sf) =	vpush v8, $0x8;
	s12 =	sadd.s32 s12, s14;
	s1 =	sadd.s32 s19, s1;
	s19 =	sld [smem:$0x7AF]  }
0x1af: {  	[dreg:$0x11] =	wrdreg s12;
	s10 =	sadd.s32 s10, s13  }
0x1b0: {  	[dreg:$0x10] =	wrdreg s10;
	s8 =	sadd.s32 s8, s11;
	(v2sf) =	vpush v8, $0xA;
	s3 =	smul.u32 $0x51EB851F, s0  }
0x1b1: {  	s0 =	spop (v2sf);
	s19 =	sadd.s32 s17, s19;
	s17 =	sld [smem:$0x7B0]  }
0x1b2: {  	[dreg:$0x15] =	wrdreg s8;
	(v2sf) =	vpush v8, $0xB;
	s2 =	smulhi.u32 $0x51EB851F, s0;
	s0 =	sshra.s32 s0, $0x1F  }
0x1b3: {  	s6 =	sadd.s32 s6, s9;
	[dreg:$0x17] =	wrdreg s1;
	s1 =	smul.u32 $0x51EB851F, s0  }
0x1b4: {  	(v2sf) =	vpush v8, $0x0;
	s0 =	spop (v2sf);
	s18 =	sadd.s32 s18, s17;
	s17 =	sld [smem:$0x7B1]  }
0x1b5: {  	[dreg:$0x16] =	wrdreg s19;
	s19 =	smulhi.u32 $0x51EB851F, s0;
	s0 =	sshra.s32 s0, $0x1F  }
0x1b6: {  	[dreg:$0xe] =	wrdreg s6;
	s0 =	smul.u32 $0x51EB851F, s0  }
0x1b7: {  	[dreg:$0x18] =	wrdreg s18;
	s18 =	spop (v2sf);
	s15 =	sadd.s32 s15, s17  }
0x1b8: {  	(v2sf) =	vpush v8, $0x1;
	[dreg:$0x13] =	wrdreg s15;
	s15 =	smulhi.u32 $0x51EB851F, s18;
	s18 =	sshra.s32 s18, $0x1F  }
0x1b9: {  	s17 =	spop (v2sf);
	s16 =	smul.u32 $0x51EB851F, s18  }
0x1ba: {  	s30 =	sadd.s32 s22, s25;
	s29 =	spop (v2sf);
	s18 =	smulhi.u32 $0x51EB851F, s17  }
0x1bb: {  	s5 =	sadd.s32 s5, s7;
	(v2sf) =	vpush v8, $0x2;
	s17 =	sshra.s32 s17, $0x1F;
	s22 =	smulhi.u32 $0x51EB851F, s29  }
0x1bc: {  	[dreg:$0xc] =	wrdreg s5;
	(v2sf) =	vpush v8, $0x3;
	s31 =	sshra.s32 s29, $0x1F;
	s17 =	smul.u32 $0x51EB851F, s17  }
0x1bd: {  	(v2sf) =	vpush v8, $0x4;
	s26 =	spop (v2sf);
	s23 =	smul.u32 $0x51EB851F, s31  }
0x1be: {  	s5 =	sld [smem:$0x7B9];
	s20 =	smulhi.u32 $0x51EB851F, s26;
	s28 =	sshra.s32 s26, $0x1F  }
0x1bf: {  	s1 =	sadd.s32 s1, s2;
	s29 =	spop (v2sf);
	s12 =	smul.u32 $0x51EB851F, s28  }
0x1c0: {  	[dreg:$0xb] =	wrdreg s1;
	s10 =	smulhi.u32 $0x51EB851F, s29;
	s31 =	sshra.s32 s29, $0x1F  }
0x1c1: {  	s14 =	spop (v2sf);
	s8 =	smul.u32 $0x51EB851F, s31  }
0x1c2: {  	s25 =	sadd.s32 s16, s15;
	s6 =	smulhi.u32 $0x51EB851F, s14;
	s21 =	sshra.s32 s14, $0x1F  }
0x1c3: {  	s26 =	spop (v2sf);
	s31 =	sadd.s32 s3, s4;
	s13 =	sadd.s32 s17, s18  }
0x1c4: {  	s15 =	sadd.s32 s23, s22;
	s24 =	smul.u32 $0x51EB851F, s21;
	[dreg:$0x1a] =	wrdreg s13  }
0x1c5: {  	s3 =	smulhi.u32 $0x51EB851F, s26;
	s28 =	sshra.s32 s26, $0x1F;
	[dreg:$0x1c] =	wrdreg s15  }
0x1c6: {  	s26 =	sadd.s32 s0, s19;
	s15 =	sld [smem:$0x7B5];
	s29 =	smul.u32 $0x51EB851F, s28  }
0x1c7: {  	s14 =	spop (v2sf);
	s28 =	sadd.s32 s12, s20;
	s12 =	sld [smem:$0x7B2]  }
0x1c8: {  	s18 =	sadd.s32 s8, s10;
	s19 =	smulhi.u32 $0x51EB851F, s14;
	s2 =	sshra.s32 s14, $0x1F  }
0x1c9: {  	s10 =	sld [smem:$0x7B4];
	s20 =	sadd.s32 s24, s6;
	s2 =	smul.u32 $0x51EB851F, s2  }
0x1ca: {  	s1 =	sshra.s32 s15, $0x5;
	s8 =	sshra.s32 s12, $0x1F;
	s11 =	spop (v2sf)  }
0x1cb: {  	s14 =	smulhi.u32 $0x51EB851F, s11;
	s4 =	sshra.s32 s11, $0x1F;
	s16 =	spop (v2sf)  }
0x1cc: {  	s13 =	sshrl.u32 s10, $0x1F;
	s4 =	smul.u32 $0x51EB851F, s4;
	s22 =	spop (v2sf)  }
0x1cd: {  	v9 =	vmov s8;
	s11 =	sshra.s32 s10, $0x5;
	s23 =	smulhi.u32 $0x51EB851F, s22;
	s24 =	sshra.s32 s22, $0x1F  }
0x1ce: {  	v11 =	vmov s13;
	s13 =	sld [smem:$0x7BA];
	v9 =	vsel vm3, s11, v9;
	s11 =	sshrl.u32 s5, $0x1F;
	s6 =	smul.u32 $0x51EB851F, s24  }
0x1cf: {  	s22 =	sadd.s32 s2, s19;
	s19 =	sadd.s32 s4, s14;
	s4 =	sld [smem:$0x7B3]  }
0x1d0: {  	s17 =	smulhi.u32 $0x51EB851F, s16;
	s0 =	sadd.s32 s6, s23;
	s23 =	sld [smem:$0x7B7]  }
0x1d1: {  	s9 =	sshra.s32 s16, $0x1F;
	s14 =	sshra.s32 s10, $0x1F;
	s10 =	sld [smem:$0x7B6]  }
0x1d2: {  	s21 =	smul.u32 $0x51EB851F, s9;
	s9 =	sshrl.u32 s4, $0x1F;
	[dreg:$0xa] =	wrdreg s0  }
0x1d3: {  	s16 =	sshrl.u32 s15, $0x1F;
	v9 =	vsel vm9, s14, v9;
	v10 =	vmov s9;
	s9 =	sld [smem:$0x7B8];
	s24 =	sshra.s32 s23, $0x5  }
0x1d4: {  	s15 =	sshrl.u32 s13, $0x1F;
	s7 =	sshra.s32 s23, $0x1F;
	v12 =	vsel vm0, s24, v9;
	s24 =	sld [smem:$0x7BD]  }
0x1d5: {  	v11 =	vnsel vm3, $0x0, v11;
	s14 =	sshra.s32 s13, $0x5;
	s6 =	sshrl.u32 s23, $0x1F;
	v51 =	vsel vm10, s7, v12;
	s7 =	sld [smem:$0x7BB]  }
0x1d6: {  	s21 =	sadd.s32 s21, s17;
	s17 =	sshrl.u32 s10, $0x1F;
	v10 =	vsel vm0, s16, v10;
	v11 =	vsel vm0, s6, v11;
	s6 =	sld [smem:$0x7BE]  }
0x1d7: {  	s2 =	sshra.s32 s4, $0x5;
	v10 =	vsel vm1, s17, v10;
	s8 =	sshrl.u32 s9, $0x1F;
	v11 =	vsel vm1, s15, v11;
	s15 =	sld [smem:$0x7BF]  }
0x1d8: {  	v52 =	vmov s11;
	s16 =	sshra.s32 s13, $0x1F;
	v9 =	vsel vm2, s8, v10;
	s8 =	sld [smem:$0x7BC];
	s17 =	sshrl.u32 s7, $0x1F  }
0x1d9: {  	v10 =	vsel vm1, s14, v51;
	s4 =	sshrl.u32 s24, $0x1F;
	v12 =	vsel vm0, s17, v52;
	s17 =	sshra.s32 s10, $0x5;
	s10 =	sld [smem:$0x7C0]  }
0x1da: {  	v10 =	vsel vm11, s16, v10;
	s11 =	sshra.s32 s24, $0x5;
	s13 =	sshra.s32 s24, $0x1F;
	v11 =	vsel vm2, s4, v11;
	s16 =	sshrl.u32 s15, $0x1F  }
0x1db: {  	v54 =	vmov s2;
	s14 =	sshrl.u32 s6, $0x1F;
	s23 =	sshrl.u32 s8, $0x1F;
	v13 =	vsel vm2, s11, v10;
	s24 =	sshra.s32 s15, $0x5;
	v11 =	vsel vm4, s16, v11  }
0x1dc: {  	v53 =	vsel vm12, s13, v13;
	s13 =	sshra.s32 s9, $0x5;
	s9 =	sld [smem:$0x7C1];
	v13 =	vsel vm0, s1, v54;
	v12 =	vsel vm1, s23, v12;
	s23 =	sshrl.u32 s10, $0x1F  }
0x1dd: {  	s11 =	sshra.s32 s7, $0x5;
	s16 =	sshra.s32 s5, $0x5;
	v10 =	vsel vm2, s14, v12;
	v12 =	vsel vm4, s24, v53;
	v11 =	vsel vm5, s23, v11;
	s23 =	sshra.s32 s15, $0x1F  }
0x1de: {  	v13 =	vsel vm1, s17, v13;
	v55 =	vmov s16;
	s16 =	sld [smem:$0x7C5];
	s14 =	sshrl.u32 s12, $0x1F;
	s15 =	sshra.s32 s10, $0x5;
	v12 =	vsel vm13, s23, v12  }
0x1df: {  	s24 =	sshrl.u32 s9, $0x1F;
	s5 =	sshra.s32 s9, $0x5;
	v14 =	vsel vm5, s15, v12;
	v12 =	vsel vm2, s13, v13;
	s13 =	sld [smem:$0x7C2]  }
0x1e0: {  	s7 =	sshra.s32 s9, $0x1F;
	s9 =	sld [smem:$0x7C3];
	v11 =	vsel vm6, s24, v11;
	s23 =	sshra.s32 s10, $0x1F  }
0x1e1: {  	s17 =	sshra.s32 s8, $0x5;
	s24 =	sshra.s32 s6, $0x5;
	v11 =	vsel vm7, s14, v11;
	v13 =	vsel vm0, s11, v55;
	s14 =	sld [smem:$0x7C4];
	v14 =	vsel vm14, s23, v14  }
0x1e2: {  	v13 =	vsel vm1, s17, v13;
	s17 =	sshrl.u32 s16, $0x1F;
	s23 =	sld [smem:$0x7C6];
	v14 =	vsel vm6, s5, v14;
	s6 =	sshra.s32 s13, $0x1F  }
0x1e3: {  	s8 =	sshra.s32 s12, $0x5;
	s10 =	sshra.s32 s9, $0x5;
	v57 =	vmov s17;
	s17 =	sld [smem:$0x7CB];
	v14 =	vsel vm15, s7, v14;
	v15 =	vmov s6  }
0x1e4: {  	v16 =	vsel vm3, s10, v15;
	v15 =	vsel vm2, s24, v13;
	v13 =	vsel vm7, s8, v14;
	s8 =	sld [smem:$0x7C7]  }
0x1e5: {  	s11 =	sshrl.u32 s9, $0x1F;
	s12 =	sshra.s32 s9, $0x1F;
	s10 =	sld [smem:$0x7C8]  }
0x1e6: {  	s15 =	sshrl.u32 s14, $0x1F;
	s0 =	sshra.s32 s14, $0x5;
	s24 =	sshra.s32 s23, $0x5;
	v56 =	vsel vm9, s12, v16  }
0x1e7: {  	s7 =	sshra.s32 s23, $0x1F;
	s6 =	sld [smem:$0x7CC];
	v14 =	vsel vm0, s24, v56;
	s9 =	sshrl.u32 s8, $0x1F  }
0x1e8: {  	v17 =	vmov s11;
	v14 =	vsel vm10, s7, v14;
	s4 =	sshra.s32 s8, $0x5;
	s11 =	sshra.s32 s10, $0x5;
	s8 =	sld [smem:$0x7C9]  }
0x1e9: {  	v17 =	vnsel vm3, $0x0, v17;
	s5 =	sshrl.u32 s23, $0x1F;
	v16 =	vsel vm0, s15, v57;
	s14 =	sshra.s32 s10, $0x1F;
	v14 =	vsel vm1, s11, v14;
	s11 =	sld [smem:$0x7CD]  }
0x1ea: {  	v18 =	vsel vm0, s5, v17;
	s24 =	sshra.s32 s17, $0x5;
	s12 =	sshrl.u32 s10, $0x1F;
	v16 =	vsel vm1, s9, v16;
	s9 =	sld [smem:$0x7CA];
	v14 =	vsel vm11, s14, v14  }
0x1eb: {  	s23 =	sshrl.u32 s17, $0x1F;
	s7 =	sshra.s32 s17, $0x1F;
	v58 =	vsel vm1, s12, v18;
	s15 =	sshrl.u32 s8, $0x1F;
	v14 =	vsel vm2, s24, v14  }
0x1ec: {  	s1 =	sshra.s32 s16, $0x5;
	v17 =	vsel vm2, s15, v16;
	v16 =	vsel vm2, s23, v58;
	s12 =	sshrl.u32 s11, $0x1F;
	v14 =	vsel vm12, s7, v14;
	s7 =	sld [smem:$0x7CE]  }
0x1ed: {  	s10 =	sshrl.u32 s6, $0x1F;
	s16 =	sshrl.u32 s9, $0x1F;
	v16 =	vsel vm4, s12, v16;
	s12 =	sld [smem:$0x7CF]  }
0x1ee: {  	s17 =	sshra.s32 s11, $0x1F;
	v59 =	vmov s16;
	s16 =	sshra.s32 s11, $0x5;
	s11 =	sld [smem:$0x7D1]  }
0x1ef: {  	v18 =	vsel vm0, s10, v59;
	v14 =	vsel vm4, s16, v14;
	s10 =	sld [smem:$0x7D0];
	s14 =	sshrl.u32 s7, $0x1F  }
0x1f0: {  	v14 =	vsel vm13, s17, v14;
	s17 =	sshra.s32 s6, $0x5;
	s6 =	sshra.s32 s7, $0x5;
	s15 =	sshrl.u32 s12, $0x1F  }
0x1f1: {  	v18 =	vsel vm1, s14, v18;
	s24 =	sshrl.u32 s11, $0x1F;
	s14 =	sshra.s32 s8, $0x5;
	s16 =	sshra.s32 s12, $0x5  }
0x1f2: {  	s8 =	sshra.s32 s11, $0x5;
	v16 =	vsel vm5, s15, v16;
	s23 =	sshrl.u32 s10, $0x1F;
	s15 =	sshrl.u32 s13, $0x1F  }
0x1f3: {  	v60 =	vmov s1;
	s7 =	sshra.s32 s10, $0x5;
	s10 =	sshra.s32 s13, $0x5;
	s13 =	sld [smem:$0x7D3]  }
0x1f4: {  	v14 =	vsel vm5, s16, v14;
	v19 =	vsel vm2, s23, v18;
	s23 =	sshra.s32 s9, $0x5;
	v18 =	vsel vm0, s0, v60;
	s9 =	sshra.s32 s11, $0x1F;
	s11 =	sld [smem:$0x7D2]  }
0x1f5: {  	v16 =	vsel vm6, s24, v16;
	s24 =	sshra.s32 s12, $0x1F;
	v20 =	vmov s23;
	v18 =	vsel vm1, s4, v18;
	s4 =	sld [smem:$0x7D6]  }
0x1f6: {  	v14 =	vsel vm14, s24, v14;
	v21 =	vsel vm0, s17, v20;
	v20 =	vsel vm2, s14, v18;
	s14 =	sld [smem:$0x7D4]  }
0x1f7: {  	s29 =	sadd.s32 s29, s3;
	v14 =	vsel vm6, s8, v14;
	s17 =	sld [smem:$0x7D5]  }
0x1f8: {  	v16 =	vsel vm7, s15, v16;
	s15 =	sshrl.u32 s13, $0x1F;
	s2 =	sshra.s32 s13, $0x5;
	v14 =	vsel vm15, s9, v14;
	s9 =	sld [smem:$0x7D7]  }
0x1f9: {  	s12 =	sshrl.u32 s11, $0x1F;
	v61 =	vsel vm1, s6, v21;
	s0 =	sshra.s32 s11, $0x5;
	v22 =	vmov s15;
	s11 =	sld [smem:$0x7D8]  }
0x1fa: {  	v21 =	vsel vm2, s7, v61;
	s7 =	sshrl.u32 s4, $0x1F;
	s3 =	sshra.s32 s4, $0x5;
	v22 =	vsel vm0, s12, v22;
	s16 =	sshra.s32 s14, $0x1F  }
0x1fb: {  	s23 =	sshrl.u32 s17, $0x1F;
	s24 =	sshra.s32 s17, $0x5;
	v22 =	vsel vm1, s7, v22;
	s7 =	sld [smem:$0x7DA]  }
0x1fc: {  	v18 =	vsel vm7, s10, v14;
	s8 =	sshra.s32 s17, $0x1F;
	v62 =	vmov s16;
	s10 =	sshrl.u32 s9, $0x1F;
	s16 =	sld [smem:$0x7D9]  }
0x1fd: {  	s12 =	sshrl.u32 s11, $0x1F;
	s1 =	sshra.s32 s9, $0x5;
	s9 =	sld [smem:$0x7DC]  }
0x1fe: {  	v23 =	vmov s23;
	s13 =	sshra.s32 s11, $0x5;
	s15 =	sshra.s32 s11, $0x1F;
	v14 =	vsel vm3, s24, v62;
	s24 =	sld [smem:$0x7DB]  }
0x1ff: {  	v23 =	vnsel vm3, $0x0, v23;
	v63 =	vsel vm2, s10, v22;
	v14 =	vsel vm9, s8, v14;
	s23 =	sshrl.u32 s7, $0x1F;
	s8 =	sld [smem:$0x7E0];
	s17 =	sshrl.u32 s16, $0x1F  }
0x200: {  	v24 =	vsel vm0, s12, v23;
	v14 =	vsel vm0, s13, v14;
	s10 =	sshra.s32 s16, $0x5;
	v38 =	vmov s23;
	s12 =	sshrl.u32 s9, $0x1F;
	s13 =	sld [smem:$0x7DD]  }
0x201: {  	s11 =	sshra.s32 s16, $0x1F;
	v37 =	vsel vm1, s17, v24;
	v14 =	vsel vm10, s15, v14;
	s6 =	sshrl.u32 s24, $0x1F;
	v24 =	vsel vm0, s12, v38;
	s12 =	sld [smem:$0x7DF]  }
0x202: {  	s23 =	sshra.s32 s24, $0x5;
	s24 =	sshra.s32 s24, $0x1F;
	v14 =	vsel vm1, s10, v14;
	s10 =	sld [smem:$0x7DE]  }
0x203: {  	v22 =	vsel vm2, s6, v37;
	s6 =	sshra.s32 s7, $0x5;
	s15 =	sshrl.u32 s13, $0x1F;
	v14 =	vsel vm11, s11, v14;
	s11 =	sld [smem:$0x7E1]  }
0x204: {  	v22 =	vsel vm4, s15, v22;
	s17 =	sshrl.u32 s12, $0x1F;
	v14 =	vsel vm2, s23, v14;
	s15 =	sshrl.u32 s8, $0x1F;
	s23 =	sshrl.u32 s14, $0x1F  }
0x205: {  	v26 =	vmov s6;
	s16 =	sshrl.u32 s10, $0x1F;
	v22 =	vsel vm5, s17, v22;
	v14 =	vsel vm12, s24, v14;
	s17 =	sshra.s32 s9, $0x5;
	s24 =	sshra.s32 s13, $0x5  }
0x206: {  	v39 =	vmov s2;
	s7 =	sshra.s32 s10, $0x5;
	s9 =	sshra.s32 s13, $0x1F;
	s13 =	sld [smem:$0x7E3];
	v24 =	vsel vm1, s16, v24;
	v27 =	vsel vm0, s17, v26  }
0x207: {  	s10 =	sshra.s32 s8, $0x5;
	s8 =	sld [smem:$0x7E4];
	s16 =	sshrl.u32 s11, $0x1F;
	v14 =	vsel vm4, s24, v14;
	v25 =	vsel vm2, s15, v24;
	v40 =	vsel vm1, s7, v27  }
0x208: {  	s17 =	sshra.s32 s11, $0x5;
	v24 =	vsel vm0, s0, v39;
	v14 =	vsel vm13, s9, v14;
	s15 =	sshra.s32 s12, $0x5;
	v27 =	vsel vm2, s10, v40;
	s10 =	sld [smem:$0x7E5]  }
0x209: {  	s24 =	sshra.s32 s14, $0x5;
	v22 =	vsel vm6, s16, v22;
	s16 =	sshra.s32 s12, $0x1F;
	v24 =	vsel vm1, s3, v24;
	v14 =	vsel vm5, s15, v14;
	s15 =	sld [smem:$0x7E6]  }
0x20a: {  	v22 =	vsel vm7, s23, v22;
	s23 =	sshra.s32 s11, $0x1F;
	s6 =	sshra.s32 s13, $0x1F;
	v26 =	vsel vm2, s1, v24;
	v14 =	vsel vm14, s16, v14;
	s1 =	sld [smem:$0x7E2]  }
0x20b: {  	s9 =	sshrl.u32 s8, $0x1F;
	s2 =	sshra.s32 s8, $0x5;
	v14 =	vsel vm6, s17, v14;
	s17 =	sld [smem:$0x7E7]  }
0x20c: {  	s11 =	sshra.s32 s10, $0x5;
	v14 =	vsel vm15, s23, v14;
	s12 =	sshrl.u32 s10, $0x1F;
	s23 =	sld [smem:$0x7E8]  }
0x20d: {  	v41 =	vmov s6;
	s14 =	sshra.s32 s10, $0x1F;
	s16 =	sshrl.u32 s15, $0x1F;
	s3 =	sshra.s32 s15, $0x5  }
0x20e: {  	s5 =	sshrl.u32 s1, $0x1F;
	s0 =	sshra.s32 s1, $0x5;
	v28 =	vsel vm3, s11, v41;
	v29 =	vmov s12;
	s12 =	sld [smem:$0x7E9]  }
0x20f: {  	v24 =	vsel vm7, s24, v14;
	v28 =	vsel vm9, s14, v28;
	s7 =	sshrl.u32 s17, $0x1F;
	s14 =	sld [smem:$0x7EA];
	s24 =	sshra.s32 s23, $0x5  }
0x210: {  	v42 =	vmov s9;
	s10 =	sshrl.u32 s23, $0x1F;
	s11 =	sshra.s32 s23, $0x1F;
	s23 =	sld [smem:$0x7EB];
	v28 =	vsel vm0, s24, v28  }
0x211: {  	s1 =	sshra.s32 s17, $0x5;
	v14 =	vsel vm0, s5, v42;
	v29 =	vnsel vm3, $0x0, v29;
	s5 =	sshrl.u32 s12, $0x1F;
	v28 =	vsel vm10, s11, v28;
	s11 =	sld [smem:$0x7EC]  }
0x212: {  	(v2sf) =	vpush v8, $0x5;
	v14 =	vsel vm1, s16, v14;
	s8 =	sshra.s32 s12, $0x5;
	v30 =	vsel vm0, s10, v29;
	s15 =	sshra.s32 s14, $0x5;
	s16 =	sshrl.u32 s14, $0x1F  }
0x213: {  	s17 =	sshra.s32 s14, $0x1F;
	s24 =	sshrl.u32 s23, $0x1F;
	v43 =	vsel vm1, s16, v30;
	s16 =	sld [smem:$0x7ED]  }
0x214: {  	v28 =	vsel vm1, s15, v28;
	s4 =	sshra.s32 s23, $0x5;
	s23 =	sld [smem:$0x7EE];
	s12 =	sshrl.u32 s11, $0x1F  }
0x215: {  	(v2sf) =	vpush v8, $0x6;
	v28 =	vsel vm11, s17, v28;
	s14 =	sshra.s32 s11, $0x5;
	s15 =	sshra.s32 s11, $0x1F;
	s11 =	sld [smem:$0x7EF]  }
0x216: {  	v44 =	vmov s24;
	v28 =	vsel vm2, s14, v28;
	s17 =	sshrl.u32 s16, $0x1F;
	s14 =	sld [smem:$0x7F0]  }
0x217: {  	v30 =	vsel vm0, s5, v44;
	s24 =	sshrl.u32 s23, $0x1F;
	s5 =	sshra.s32 s16, $0x5;
	s16 =	sld [smem:$0x7F1]  }
0x218: {  	v29 =	vsel vm2, s7, v14;
	v14 =	vsel vm2, s12, v43;
	s10 =	sshra.s32 s23, $0x5;
	s12 =	sshra.s32 s23, $0x1F;
	s23 =	sshrl.u32 s13, $0x1F  }
0x219: {  	v14 =	vsel vm4, s24, v14;
	v28 =	vsel vm12, s15, v28;
	s9 =	sshrl.u32 s11, $0x1F;
	s24 =	sshra.s32 s11, $0x5;
	s15 =	sshrl.u32 s14, $0x1F  }
0x21a: {  	v30 =	vsel vm1, s17, v30;
	v28 =	vsel vm4, s10, v28;
	s17 =	sshrl.u32 s16, $0x1F;
	s6 =	sshra.s32 s14, $0x5;
	s14 =	sld [smem:$0x7F2]  }
0x21b: {  	v46 =	vmov s2;
	v14 =	vsel vm5, s9, v14;
	v45 =	vsel vm13, s12, v28;
	s9 =	sshra.s32 s16, $0x5;
	s10 =	sshra.s32 s16, $0x1F;
	s16 =	sld [smem:$0x7F3]  }
0x21c: {  	s7 =	sshra.s32 s11, $0x1F;
	s11 =	sshra.s32 s13, $0x5;
	s12 =	sld [smem:$0x7F5];
	v33 =	vsel vm2, s15, v30;
	v14 =	vsel vm6, s17, v14;
	v30 =	vsel vm5, s24, v45  }
0x21d: {  	s24 =	sld [smem:$0x7F6];
	v28 =	vsel vm7, s23, v14;
	v14 =	vsel vm0, s0, v46;
	v30 =	vsel vm14, s7, v30;
	s15 =	sshrl.u32 s14, $0x1F;
	s13 =	sshra.s32 s14, $0x5  }
0x21e: {  	v31 =	vmov s4;
	v14 =	vsel vm1, s3, v14;
	v30 =	vsel vm6, s9, v30;
	s3 =	sshra.s32 s14, $0x1F;
	s7 =	sshrl.u32 s16, $0x1F;
	s14 =	sld [smem:$0x7F7]  }
0x21f: {  	v31 =	vsel vm0, s8, v31;
	s8 =	sshra.s32 s16, $0x5;
	v34 =	vsel vm2, s1, v14;
	v30 =	vsel vm15, s10, v30;
	s1 =	sshra.s32 s16, $0x1F;
	s16 =	sld [smem:$0x7F4]  }
0x220: {  	v47 =	vsel vm1, s5, v31;
	v49 =	vmov s15;
	v31 =	vsel vm7, s11, v30;
	s11 =	sld [smem:$0x7F8]  }
0x221: {  	s23 =	sshrl.u32 s12, $0x1F;
	s15 =	spop (v2sf);
	v35 =	vnsel vm3, $0x0, v49  }
0x222: {  	v48 =	vmov s23;
	s0 =	sshrl.u32 s24, $0x1F;
	s2 =	smulhi.u32 $0x51EB851F, s15;
	v50 =	vsel vm0, s7, v35;
	s17 =	sshrl.u32 s16, $0x1F  }
0x223: {  	s9 =	sshra.s32 s14, $0x1F;
	v37 =	vsel vm1, s0, v50;
	s0 =	sld [smem:$0x7FA];
	v14 =	vsel vm0, s17, v48;
	s10 =	sshrl.u32 s11, $0x1F  }
0x224: {  	s23 =	sshra.s32 s24, $0x5;
	s7 =	spop (v2sf);
	v32 =	vmov s9;
	v14 =	vsel vm1, s10, v14;
	s10 =	sld [smem:$0x7F9]  }
0x225: {  	s17 =	sshra.s32 s24, $0x1F;
	v32 =	vsel vm3, s13, v32;
	s24 =	sshra.s32 s15, $0x1F;
	s13 =	rddreg [dreg:$0x1f]  }
0x226: {  	s9 =	rddreg [dreg:$0x1d];
	s4 =	sshrl.u32 s13, $0x1F;
	v32 =	vsel vm9, s3, v32;
	s3 =	smul.u32 $0x51EB851F, s24  }
0x227: {  	v36 =	vsel vm2, s6, v47;
	v30 =	vsel vm2, s4, v14;
	s15 =	sshrl.u32 s0, $0x1F;
	s4 =	sld [smem:$0x7FB];
	s6 =	sshrl.u32 s10, $0x1F  }
0x228: {  	s24 =	smulhi.u32 $0x51EB851F, s7;
	v32 =	vsel vm0, s8, v32;
	s8 =	sshrl.u32 s9, $0x1F;
	v37 =	vsel vm2, s15, v37;
	s15 =	rddreg [dreg:$0x1e];
	v51 =	vmov s6  }
0x229: {  	v32 =	vsel vm10, s1, v32;
	s1 =	sld [smem:$0x7FD];
	s6 =	sshra.s32 s7, $0x1F;
	s7 =	sshrl.u32 s15, $0x1F;
	v35 =	vsel vm0, s8, v51  }
0x22a: {  	v32 =	vsel vm1, s23, v32;
	s8 =	sshrl.u32 s4, $0x1F;
	s6 =	smul.u32 $0x51EB851F, s6;
	v35 =	vsel vm1, s7, v35;
	s7 =	sld [smem:$0x7FC]  }
0x22b: {  	v14 =	vld [tilespmem:$0x70];
	v32 =	vsel vm11, s17, v32;
	s17 =	sshra.s32 s0, $0x5;
	v37 =	vsel vm4, s8, v37;
	s8 =	rddreg [dreg:$0x1b]  }
0x22c: {  	v38 =	vsel vm2, s17, v32;
	s17 =	sshra.s32 s16, $0x5;
	s5 =	sshrl.u32 s8, $0x1F;
	s24 =	sadd.s32 s6, s24  }
0x22d: {  	s6 =	sshrl.u32 s14, $0x1F;
	s14 =	sshra.s32 s14, $0x5;
	s23 =	sshrl.u32 s7, $0x1F  }
0x22e: {  	v35 =	vsel vm2, s5, v35;
	s5 =	sshrl.u32 s1, $0x1F;
	v37 =	vsel vm5, s23, v37;
	s23 =	sadd.s32 s3, s2;
	s3 =	rddreg [dreg:$0x18]  }
0x22f: {  	(v2sf) =	vpush v8, $0x7;
	v37 =	vsel vm6, s5, v37;
	s5 =	sshra.s32 s0, $0x1F;
	s0 =	sshra.s32 s10, $0x5;
	s10 =	sshra.s32 s15, $0x5  }
0x230: {  	(v2sf) =	vpush v14, $0xD;
	s15 =	rddreg [dreg:$0x17];
	v32 =	vsel vm7, s6, v37;
	v52 =	vsel vm12, s5, v38;
	s5 =	sshra.s32 s12, $0x5;
	s6 =	smov.u32 s4  }
0x231: {  	s4 =	sshra.s32 s4, $0x5;
	s12 =	sshra.s32 s11, $0x5;
	s11 =	sshra.s32 s8, $0x5  }
0x232: {  	(v2sf) =	vpush v14, $0xC;
	v39 =	vmov s0;
	s2 =	sshra.s32 s15, $0x5;
	s0 =	rddreg [dreg:$0x10];
	v37 =	vsel vm4, s4, v52;
	s4 =	sshra.s32 s13, $0x5  }
0x233: {  	v53 =	vmov s5;
	s16 =	sshra.s32 s6, $0x1F;
	s13 =	sshra.s32 s1, $0x1F;
	s6 =	rddreg [dreg:$0x13]  }
0x234: {  	v38 =	vsel vm0, s17, v53;
	s17 =	sshra.s32 s9, $0x5;
	s9 =	sshra.s32 s7, $0x5;
	s7 =	sshra.s32 s7, $0x1F  }
0x235: {  	v37 =	vsel vm13, s16, v37;
	s16 =	sshrl.u32 s15, $0x1F;
	s8 =	sshrl.u32 s6, $0x1F;
	v39 =	vsel vm0, s17, v39;
	s17 =	rddreg [dreg:$0x16]  }
0x236: {  	(v2sf) =	vpush v14, $0xE;
	v38 =	vsel vm1, s12, v38;
	v37 =	vsel vm5, s9, v37;
	s12 =	sshra.s32 s1, $0x5;
	s1 =	sshrl.u32 s17, $0x1F;
	s5 =	sshra.s32 s17, $0x5  }
0x237: {  	(v2sf) =	vpush v14, $0xF;
	v37 =	vsel vm14, s7, v37;
	v39 =	vsel vm1, s10, v39;
	s7 =	sshrl.u32 s3, $0x1F;
	s3 =	sshra.s32 s3, $0x5;
	s17 =	rddreg [dreg:$0xf]  }
0x238: {  	v38 =	vsel vm2, s4, v38;
	s4 =	sshra.s32 s6, $0x5;
	v37 =	vsel vm6, s12, v37;
	v39 =	vsel vm2, s11, v39;
	s11 =	sshra.s32 s31, $0x1F;
	s12 =	rddreg [dreg:$0x12]  }
0x239: {  	(v2sf) =	vpush v14, $0x9;
	v40 =	vmov s1;
	s1 =	rddreg [dreg:$0x14];
	v54 =	vmov s5;
	s5 =	sshra.s32 s30, $0x5;
	s10 =	sshrl.u32 s12, $0x1F  }
0x23a: {  	(v2sf) =	vpush v14, $0x8;
	v37 =	vsel vm15, s13, v37;
	v41 =	vmov s11;
	s13 =	rddreg [dreg:$0x19];
	s6 =	sshra.s32 s12, $0x5;
	s11 =	sshrl.u32 s17, $0x1F  }
0x23b: {  	(v2sf) =	vpush v14, $0xA;
	v40 =	vsel vm0, s16, v40;
	s12 =	sshrl.u32 s1, $0x1F;
	v37 =	vsel vm7, s14, v37;
	s14 =	sshrl.u32 s13, $0x1F;
	s15 =	sshra.s32 s13, $0x5  }
0x23c: {  	(v2sf) =	vpush v14, $0xB;
	s16 =	sshra.s32 s13, $0x1F;
	v40 =	vsel vm1, s7, v40;
	s7 =	sshra.s32 s17, $0x5;
	s13 =	sshra.s32 s1, $0x5  }
0x23d: {  	v42 =	vmov s14;
	v41 =	vsel vm3, s15, v41;
	v40 =	vsel vm2, s8, v40;
	s14 =	sshra.s32 s1, $0x1F;
	s15 =	rddreg [dreg:$0xd];
	s8 =	sshra.s32 s0, $0x1F  }
0x23e: {  	(v2sf) =	vpush v14, $0x0;
	s1 =	spop (v2sf);
	v41 =	vsel vm9, s16, v41;
	v42 =	vnsel vm3, $0x0, v42;
	s9 =	sshrl.u32 s15, $0x1F;
	s16 =	rddreg [dreg:$0x11]  }
0x23f: {  	v43 =	vmov s11;
	s11 =	spop (v2sf);
	v42 =	vsel vm0, s12, v42;
	v41 =	vsel vm0, s13, v41;
	s17 =	sshrl.u32 s16, $0x1F;
	s12 =	sshra.s32 s15, $0x5  }
0x240: {  	v43 =	vsel vm0, s10, v43;
	v45 =	vmov s7;
	s13 =	sshrl.u32 s0, $0x1F;
	s15 =	sshra.s32 s16, $0x1F;
	v41 =	vsel vm10, s14, v41;
	s14 =	sshra.s32 s16, $0x5  }
0x241: {  	v43 =	vsel vm1, s9, v43;
	s10 =	spop (v2sf);
	s9 =	sshrl.u32 s31, $0x1F;
	v42 =	vsel vm1, s17, v42;
	v41 =	vsel vm1, s14, v41;
	s14 =	rddreg [dreg:$0x15]  }
0x242: {  	v45 =	vsel vm0, s6, v45;
	s17 =	sshra.s32 s0, $0x5;
	s0 =	rddreg [dreg:$0xe];
	v42 =	vsel vm2, s13, v42;
	s16 =	sshrl.u32 s14, $0x1F  }
0x243: {  	v45 =	vsel vm1, s12, v45;
	s12 =	sshrl.u32 s25, $0x1F;
	v41 =	vsel vm11, s15, v41;
	s15 =	sshrl.u32 s0, $0x1F;
	s13 =	sshra.s32 s14, $0x5;
	v42 =	vsel vm4, s16, v42  }
0x244: {  	v10 =	vcombine.low v10, v9;
	v41 =	vsel vm2, s17, v41;
	s16 =	sshrl.u32 s30, $0x1F;
	s30 =	sshra.s32 s0, $0x1F;
	v42 =	vsel vm5, s15, v42;
	s15 =	rddreg [dreg:$0xc]  }
0x245: {  	v43 =	vsel vm2, s16, v43;
	v44 =	vsel vm12, s8, v41;
	s16 =	sshra.s32 s14, $0x1F;
	s14 =	sshra.s32 s31, $0x5;
	s17 =	sshrl.u32 s15, $0x1F  }
0x246: {  	v10 =	vperm.xlane v10, v0;
	s31 =	sshrl.u32 s26, $0x1F;
	v44 =	vsel vm4, s13, v44;
	v42 =	vsel vm6, s17, v42;
	s17 =	sshra.s32 s0, $0x5;
	s0 =	sshra.s32 s15, $0x5  }
0x247: {  	v11 =	vperm.xlane v11, v1;
	v44 =	vsel vm13, s16, v44;
	s15 =	sshra.s32 s15, $0x1F;
	s16 =	sshrl.u32 s29, $0x1F;
	v41 =	vsel vm7, s9, v42;
	s9 =	spop (v2sf)  }
0x248: {  	v12 =	vcombine.low v15, v12;
	v42 =	vsel vm0, s2, v54;
	v44 =	vsel vm5, s17, v44;
	s2 =	smulhi.u32 $0x51EB851F, s1;
	s17 =	sshra.s32 s1, $0x1F;
	s8 =	spop (v2sf)  }
0x249: {  	v13 =	vperm.xlane v13, v1;
	(v2sf) =	vpush v14, $0x1;
	v46 =	vmov s16;
	s1 =	rddreg [dreg:$0xb];
	s16 =	sshrl.u32 s28, $0x1F;
	s7 =	spop (v2sf)  }
0x24a: {  	v45 =	vsel vm2, s5, v45;
	v42 =	vsel vm1, s3, v42;
	v44 =	vsel vm14, s30, v44;
	s30 =	sshrl.u32 s1, $0x1F;
	s6 =	smul.u32 $0x51EB851F, s17;
	s3 =	spop (v2sf)  }
0x24b: {  	(v2sf) =	vpush v14, $0x2;
	s17 =	sshrl.u32 s21, $0x1F;
	v48 =	vmov s16;
	s16 =	rddreg [dreg:$0x1a];
	v42 =	vsel vm2, s4, v42;
	s4 =	spop (v2sf)  }
0x24c: {  	v46 =	vnsel vm3, $0x0, v46;
	v44 =	vsel vm6, s0, v44;
	s0 =	sshrl.u32 s22, $0x1F;
	s13 =	sshrl.u32 s16, $0x1F;
	s5 =	spop (v2sf);
	(v2sf) =	vpush v14, $0x3  }
0x24d: {  	v47 =	vmov s31;
	v44 =	vsel vm15, s15, v44;
	v46 =	vsel vm0, s0, v46;
	s15 =	sshrl.u32 s19, $0x1F;
	s0 =	rddreg [dreg:$0xa];
	s2 =	sadd.s32 s6, s2  }
0x24e: {  	v47 =	vsel vm0, s30, v47;
	v44 =	vsel vm7, s14, v44;
	v46 =	vsel vm1, s15, v46;
	s31 =	sshrl.u32 s0, $0x1F;
	s14 =	sshrl.u32 s18, $0x1F;
	s15 =	sshrl.u32 s23, $0x1F  }
0x24f: {  	v12 =	vperm.xlane v12, v0;
	v47 =	vsel vm1, s12, v47;
	s12 =	sshrl.u32 s2, $0x1F;
	s18 =	sshra.s32 s18, $0x5;
	v46 =	vsel vm2, s17, v46;
	s17 =	rddreg [dreg:$0x1c]  }
0x250: {  	v10 =	vsel vm8, v11, v10;
	s30 =	sshrl.u32 s17, $0x1F;
	v46 =	vsel vm4, s31, v46;
	s6 =	spop (v2sf);
	s31 =	sshrl.u32 s24, $0x1F  }
0x251: {  	v12 =	vsel vm8, v13, v12;
	v48 =	vsel vm0, s30, v48;
	v49 =	vsel vm5, s15, v46;
	s30 =	sshrl.u32 s20, $0x1F;
	s15 =	sshra.s32 s26, $0x5;
	s26 =	sshra.s32 s2, $0x1F  }
0x252: {  	v46 =	vsel vm2, s13, v47;
	s13 =	smulhi.u32 $0x51EB851F, s10;
	v48 =	vsel vm1, s14, v48;
	v55 =	vsel vm6, s31, v49;
	s31 =	sshra.s32 s25, $0x5;
	s25 =	sshra.s32 s29, $0x1F  }
0x253: {  	v50 =	vmov s26;
	s26 =	sshra.s32 s22, $0x5;
	v47 =	vsel vm2, s30, v48;
	s30 =	sshra.s32 s1, $0x5;
	v9 =	vsel vm7, s12, v55;
	s12 =	sshra.s32 s16, $0x5  }
0x254: {  	v10 =	vadd.s32 v10, v12;
	v62 =	vcombine.low v21, v20;
	v56 =	vmov s15;
	s16 =	sshra.s32 s28, $0x5;
	s28 =	smulhi.u32 $0x51EB851F, s11;
	s11 =	sshra.s32 s11, $0x1F  }
0x255: {  	v16 =	vperm.xlane v16, v1;
	v18 =	vperm.xlane v18, v1;
	s1 =	sshra.s32 s29, $0x5;
	s29 =	sshra.s32 s22, $0x1F;
	v57 =	vsel vm0, s30, v56;
	s11 =	smul.u32 $0x51EB851F, s11  }
0x256: {  	v13 =	vperm.xlane v62, v0;
	v58 =	vsel vm3, s1, v50;
	s1 =	sshra.s32 s17, $0x5;
	s17 =	smulhi.u32 $0x51EB851F, s9;
	v48 =	vsel vm1, s31, v57;
	s31 =	sshra.s32 s10, $0x1F  }
0x257: {  	v61 =	vcombine.low v19, v17;
	v63 =	vcombine.low v25, v63;
	s22 =	sshra.s32 s19, $0x1F;
	v49 =	vsel vm9, s25, v58;
	s25 =	sshra.s32 s9, $0x1F;
	s14 =	smul.u32 $0x51EB851F, s31  }
0x258: {  	v13 =	vsel vm8, v18, v13;
	(v2sf) =	vpush v14, $0x4;
	s30 =	sshra.s32 s19, $0x5;
	v60 =	vmov s16;
	s10 =	spop (v2sf);
	s15 =	smul.u32 $0x51EB851F, s25  }
0x259: {  	v17 =	vperm.xlane v63, v0;
	(v2sf) =	vpush v14, $0x5;
	v50 =	vsel vm0, s1, v60;
	s1 =	sshra.s32 s0, $0x5;
	s9 =	sadd.s32 s11, s28;
	s11 =	smulhi.u32 $0x51EB851F, s8  }
0x25a: {  	v51 =	vcombine.low v27, v26;
	s28 =	sshra.s32 s8, $0x1F;
	v53 =	vsel vm1, s18, v50;
	s18 =	smulhi.u32 $0x51EB851F, s7;
	s8 =	spop (v2sf);
	(v2sf) =	vpush v14, $0x6  }
0x25b: {  	v52 =	vcombine.low v33, v29;
	v59 =	vsel vm0, s26, v49;
	s31 =	sshra.s32 s7, $0x1F;
	s25 =	smulhi.u32 $0x51EB851F, s3;
	s7 =	spop (v2sf);
	(v2sf) =	vpush v14, $0x7  }
0x25c: {  	v20 =	vperm.xlane v51, v0;
	v54 =	vmul.u32 $0x64, v10;
	s26 =	sshra.s32 s21, $0x5;
	v15 =	vsel vm10, s29, v59;
	s29 =	sshra.s32 s20, $0x5;
	s20 =	smul.u32 $0x51EB851F, s31  }
0x25d: {  	v30 =	vcombine.low v35, v30;
	v21 =	vperm.xlane v52, v0;
	v15 =	vsel vm1, s30, v15;
	s30 =	sshra.s32 s21, $0x1F;
	s21 =	smul.u32 $0x51EB851F, s28;
	s14 =	sadd.s32 s14, s13  }
0x25e: {  	v3 =	vsub.s32 v3, v54;
	v55 =	vperm.xlane v61, v0;
	v61 =	vperm.xlane v31, v1;
	s28 =	sshrl.u32 s9, $0x1F;
	s16 =	sadd.s32 s15, s17;
	s9 =	sshra.s32 s9, $0x5  }
0x25f: {  	v31 =	vcombine.low v39, v38;
	v38 =	vperm.xlane v37, v1;
	v15 =	vsel vm11, s22, v15;
	s22 =	sshrl.u32 s14, $0x1F;
	s11 =	sadd.s32 s21, s11;
	s21 =	smulhi.u32 $0x51EB851F, s10  }
0x260: {  	v56 =	vcombine.low v36, v34;
	s17 =	sshrl.u32 s16, $0x1F;
	v15 =	vsel vm2, s26, v15;
	s26 =	sshra.s32 s3, $0x1F;
	v57 =	vmov s22;
	s22 =	smulhi.u32 $0x51EB851F, s8  }
0x261: {  	v34 =	vcombine.low v43, v40;
	v11 =	vsel vm2, s12, v48;
	v12 =	vsel vm2, s29, v53;
	s12 =	sadd.s32 s20, s18;
	s14 =	sshra.s32 s14, $0x5;
	s29 =	smul.u32 $0x51EB851F, s26  }
0x262: {  	v36 =	vperm.xlane v32, v1;
	v9 =	vperm.xlane v9, v1;
	s16 =	sshra.s32 s16, $0x5;
	s8 =	sshra.s32 s8, $0x1F;
	v15 =	vsel vm12, s30, v15;
	s30 =	smulhi.u32 $0x51EB851F, s4  }
0x263: {  	v16 =	vsel vm8, v16, v55;
	v58 =	vperm.xlane v22, v1;
	v35 =	vmov s14;
	s14 =	sshra.s32 s0, $0x1F;
	s4 =	sshra.s32 s4, $0x1F;
	s8 =	smul.u32 $0x51EB851F, s8  }
0x264: {  	v60 =	vperm.xlane v28, v1;
	v13 =	vadd.s32 v16, v13;
	v62 =	vsel vm0, s28, v57;
	s28 =	sshrl.u32 s12, $0x1F;
	s19 =	sshrl.u32 s11, $0x1F;
	s31 =	smul.u32 $0x51EB851F, s4  }
0x265: {  	v43 =	vperm.xlane v34, v0;
	v48 =	vperm.xlane v41, v1;
	s11 =	sshra.s32 s11, $0x5;
	v10 =	vsel vm4, s1, v15;
	s1 =	smulhi.u32 $0x51EB851F, s5;
	s5 =	sshra.s32 s5, $0x1F  }
0x266: {  	v49 =	vcombine.low v45, v42;
	v59 =	vperm.xlane v24, v1;
	v13 =	vmul.u32 $0x64, v13;
	s12 =	sshra.s32 s12, $0x5;
	s13 =	sadd.s32 s29, s25;
	s26 =	smul.u32 $0x51EB851F, s5  }
0x267: {  	v50 =	vcombine.low v47, v46;
	v17 =	vsel vm8, v58, v17;
	v16 =	vsel vm8, v60, v21;
	s29 =	smulhi.u32 $0x51EB851F, s6;
	s6 =	sshra.s32 s6, $0x1F;
	s3 =	spop (v2sf)  }
0x268: {  	v53 =	vperm.xlane v44, v1;
	v18 =	vsel vm8, v59, v20;
	v2 =	vsub.s32 v2, v13;
	s25 =	sshrl.u32 s13, $0x1F;
	s20 =	smul.u32 $0x51EB851F, s6;
	s4 =	spop (v2sf)  }
0x269: {  	v11 =	vcombine.low v12, v11;
	v17 =	vadd.s32 v17, v18;
	v18 =	vperm.xlane v31, v0;
	s15 =	sadd.s32 s31, s30;
	s30 =	sshra.s32 s10, $0x1F;
	s6 =	spop (v2sf)  }
0x26a: {  	v17 =	vmul.u32 $0x64, v17;
	v22 =	vsel vm0, s9, v35;
	v63 =	vmov s25;
	s10 =	sadd.s32 s26, s1;
	s1 =	smul.u32 $0x51EB851F, s30;
	s26 =	spop (v2sf)  }
0x26b: {  	v11 =	vperm.xlane v11, v0;
	v28 =	vsel vm1, s17, v62;
	s17 =	sshra.s32 s23, $0x1F;
	v29 =	vsel vm0, s28, v63;
	s28 =	smulhi.u32 $0x51EB851F, s26;
	s9 =	sshra.s32 s26, $0x1F  }
0x26c: {  	v15 =	vperm.xlane v56, v0;
	v22 =	vsel vm1, s16, v22;
	v40 =	vsel vm8, v38, v18;
	s8 =	sadd.s32 s8, s22;
	s13 =	sshra.s32 s13, $0x5;
	s30 =	smul.u32 $0x51EB851F, s9  }
0x26d: {  	v18 =	vperm.xlane v50, v0;
	v19 =	vsel vm2, s19, v28;
	v4 =	vsub.s32 v4, v17;
	s31 =	sshrl.u32 s15, $0x1F;
	s25 =	smulhi.u32 $0x51EB851F, s7;
	s7 =	sshra.s32 s7, $0x1F  }
0x26e: {  	v51 =	vsel vm2, s11, v22;
	v17 =	vperm.xlane v49, v0;
	v15 =	vsel vm8, v61, v15;
	s15 =	sshra.s32 s15, $0x5;
	s18 =	sshrl.u32 s10, $0x1F;
	s5 =	sadd.s32 s30, s28  }
0x26f: {  	v10 =	vsel vm13, s14, v10;
	v9 =	vsel vm8, v9, v18;
	v15 =	vadd.s32 v16, v15;
	s7 =	smul.u32 $0x51EB851F, s7;
	s29 =	sadd.s32 s20, s29;
	s16 =	sshra.s32 s5, $0x1F  }
0x270: {  	v16 =	vperm.xlane v30, v0;
	s10 =	sshra.s32 s10, $0x5;
	v33 =	vsel vm1, s31, v29;
	s31 =	sadd.s32 s1, s21;
	s19 =	sshra.s32 s29, $0x5;
	v54 =	vmov s16  }
0x271: {  	v52 =	vmov s13;
	v55 =	vsel vm8, v53, v17;
	s1 =	sshra.s32 s23, $0x5;
	s21 =	sshra.s32 s29, $0x1F;
	s22 =	sshrl.u32 s29, $0x1F;
	v24 =	vsel vm3, s19, v54  }
0x272: {  	v15 =	vmul.u32 $0x64, v15;
	v22 =	vsel vm0, s12, v52;
	s29 =	sshra.s32 s8, $0x5;
	s7 =	sadd.s32 s7, s25;
	s25 =	sshra.s32 s31, $0x5;
	v24 =	vsel vm9, s21, v24  }
0x273: {  	v39 =	vsel vm8, v36, v16;
	v22 =	vsel vm1, s15, v22;
	s23 =	sshrl.u32 s31, $0x1F;
	s9 =	sshra.s32 s31, $0x1F;
	s31 =	smulhi.u32 $0x51EB851F, s4;
	v56 =	vsel vm0, s25, v24  }
0x274: {  	v20 =	vsel vm2, s18, v33;
	v6 =	vsub.s32 v6, v15;
	s26 =	sshrl.u32 s8, $0x1F;
	s28 =	smulhi.u32 $0x51EB851F, s3;
	s3 =	sshra.s32 s3, $0x1F;
	v17 =	vsel vm10, s9, v56  }
0x275: {  	v13 =	vadd.s32 v39, v40;
	v15 =	vsel vm8, v48, v43;
	s8 =	sshra.s32 s8, $0x1F;
	s4 =	sshra.s32 s4, $0x1F;
	s3 =	smul.u32 $0x51EB851F, s3;
	v17 =	vsel vm1, s29, v17  }
0x276: {  	s20 =	sshra.s32 s24, $0x5;
	v57 =	vsel vm2, s10, v22;
	v59 =	vmov s22;
	s0 =	sshra.s32 s7, $0x5;
	s4 =	smul.u32 $0x51EB851F, s4;
	v17 =	vsel vm11, s8, v17  }
0x277: {  	v10 =	vsel vm5, s1, v10;
	v58 =	vcombine.low v20, v19;
	s30 =	sshrl.u32 s7, $0x1F;
	s7 =	sshra.s32 s7, $0x1F;
	s3 =	sadd.s32 s3, s28;
	v17 =	vsel vm2, s0, v17  }
0x278: {  	v18 =	vcombine.low v57, v51;
	v19 =	vnsel vm3, $0x0, v59;
	s10 =	smulhi.u32 $0x51EB851F, s6;
	s6 =	sshra.s32 s6, $0x1F;
	s14 =	sshra.s32 s3, $0x5;
	v17 =	vsel vm12, s7, v17  }
0x279: {  	v10 =	vsel vm14, s17, v10;
	v19 =	vsel vm0, s23, v19;
	s6 =	smul.u32 $0x51EB851F, s6;
	s4 =	sadd.s32 s4, s31;
	s15 =	sshra.s32 s3, $0x1F;
	v17 =	vsel vm4, s14, v17  }
0x27a: {  	v10 =	vsel vm6, s20, v10;
	v19 =	vsel vm1, s26, v19;
	s18 =	sshra.s32 s4, $0x5;
	v17 =	vsel vm13, s15, v17  }
0x27b: {  	v12 =	vperm.xlane v58, v0;
	s6 =	sadd.s32 s6, s10;
	v19 =	vsel vm2, s30, v19;
	s20 =	sshra.s32 s4, $0x1F;
	s17 =	sshrl.u32 s3, $0x1F;
	v17 =	vsel vm5, s18, v17  }
0x27c: {  	v60 =	vperm.xlane v18, v0;
	s23 =	sshra.s32 s6, $0x5;
	s16 =	sshra.s32 s24, $0x1F;
	s19 =	sshrl.u32 s4, $0x1F;
	v19 =	vsel vm4, s17, v19;
	v17 =	vsel vm14, s20, v17  }
0x27d: {  	s22 =	sshrl.u32 s6, $0x1F;
	v10 =	vsel vm15, s16, v10;
	s21 =	sshra.s32 s2, $0x5;
	s25 =	sshra.s32 s6, $0x1F;
	v19 =	vsel vm5, s19, v19;
	v17 =	vsel vm6, s23, v17  }
0x27e: {  	s26 =	sshra.s32 s5, $0x5;
	s24 =	sshrl.u32 s5, $0x1F;
	v10 =	vsel vm7, s21, v10;
	v19 =	vsel vm6, s22, v19;
	v17 =	vsel vm15, s25, v17  }
0x27f: {  	v10 =	vperm.xlane v10, v1;
	v19 =	vsel vm7, s24, v19;
	v17 =	vsel vm7, s26, v17  }
0x280: {  	[tilespmem:$0x210] =	vst v2;
	v2 =	vadd.s32 v15, v55;
	v19 =	vperm.xlane v19, v1;
	v61 =	vperm.xlane v17, v1  }
0x281: {  	[tilespmem:$0x200] =	vst v3;
	v62 =	vmul.u32 $0x64, v13;
	v2 =	vmul.u32 $0x64, v2;
	v3 =	vsel vm8, v10, v11  }
0x282: {  	[tilespmem:$0x220] =	vst v4;
	v3 =	vadd.s32 v9, v3;
	v63 =	vsel vm8, v19, v12;
	v10 =	vsel vm8, v61, v60  }
0x283: {  	[tilespmem:$0x230] =	vst v6;
	v5 =	vsub.s32 v5, v62;
	v3 =	vmul.u32 $0x64, v3;
	v4 =	vadd.s32 v63, v10  }
.Ltmp2:
0x284: {  	[tilespmem:$0x240] =	vst v5;
	v2 =	vsub.s32 v7, v2;
	v4 =	vmul.u32 $0x64, v4;
	(pc) =	sbr.rel .LBB2_2-.Ltmp2, $4  }
0x285: {  	[tilespmem:$0x250] =	vst v2;
	s30 =	simm.s32 $0x200;
	v2 =	vsub.s32 v8, v3  }
0x286: {  	s31 =	simm.s32 $0x300;
	s28 =	rddreg [dreg:$0x0];
	s16 =	simm.s32 $0x0;
	[tilespmem:$0x260] =	vst v2;
	v2 =	vsub.s32 v14, v4  }
0x287: {  	s2 =	rddreg [dreg:$0x6];
	s29 =	simm.s32 $0x80;
	s14 =	simm.s32 $0xF0;
	[tilespmem:$0x270] =	vst v2  }
0x288: {  	[tilespmem:s31], [sflag:$0x1] =	stream.indirect.gather [hbm4b:s28+s29], $0x80, s30, s29, $0xb8;
	[tilespmem:$0x8300] =	vst v63  }
.LBB2_4:
0x289: {  	s16 =	sadd.s32 $0x1, s16  }
0x28a: {  	s1 =	simm.s32 $0x1;
	p0 =	sne.s32 s16, $0x4  }
.Ltmp3:
0x28b: {  	_ =	swait.ge [sflag:s1], $0x4000;
	(pc) =	sbr.rel @!p0 .LBB2_5-.Ltmp3, $4  }
0x28c: {  	s0 =	sshll.u32 s15, $0xE;
	[sflag:s1] =	ssyncset.done $0x0  }
0x28d: {  	s31 =	simm.s32 $0x0;
	s0 =	sor.u32 $0x300, s0;
	[sflag:s1] =	ssyncadd.s32 $0xFFFFC000  }
0x28e: {  	[hbm4b:s2+s31] =	stream.linear.scatter [tilespmem:s0], [sflag:$0x2], $0x4000, $0x38;
	[tilespmem:$0x8300] =	vst v63  }
0x28f: {  	s14 =	sadd.s32 $0x80, s14;
	s2 =	sadd.s32 $0x800, s2  }
.LBB2_2:
0x290: {  	p0 =	seq.s32 s16, $0x3  }
.Ltmp4:
0x291: {  	_ = 	snop;
	(pc) =	sbr.rel @p0 .LBB2_4-.Ltmp4, $2  }
0x292: {  	_ =	sdelay $0x2  }
0x293: {  	s15 =	sand.u32 $0x1, s16  }
0x294: {  	v2 =	vld [tilespmem:s14+$0xFFFFFF90];
	_ =	sdelay $0x4  }
0x295: {  	(v2sf) =	vpush v2, $0xD;
	_ =	sdelay $0x1  }
0x296: {  	(v2sf) =	vpush v2, $0xC;
	_ =	sdelay $0x1  }
0x297: {  	(v2sf) =	vpush v2, $0xE;
	_ =	sdelay $0x1  }
0x298: {  	(v2sf) =	vpush v2, $0xF;
	_ =	sdelay $0x1  }
0x299: {  	(v2sf) =	vpush v2, $0x9;
	_ =	sdelay $0x1  }
0x29a: {  	(v2sf) =	vpush v2, $0x8;
	_ =	sdelay $0x1  }
0x29b: {  	(v2sf) =	vpush v2, $0xA;
	_ =	sdelay $0x1  }
0x29c: {  	(v2sf) =	vpush v2, $0xB  }
0x29d: {  	s0 =	spop (v2sf)  }
0x29e: {  	(v2sf) =	vpush v2, $0x0;
	s1 =	smulhi.u32 $0x51EB851F, s0;
	s0 =	sshra.s32 s0, $0x1F  }
0x29f: {  	s22 =	spop (v2sf);
	(v2sf) =	vpush v2, $0x1;
	s0 =	smul.u32 $0x51EB851F, s0  }
0x2a0: {  	[dreg:$0x8] =	wrdreg s2;
	s3 =	smulhi.u32 $0x51EB851F, s22;
	s2 =	sshra.s32 s22, $0x1F;
	(v2sf) =	vpush v2, $0x2  }
0x2a1: {  	s4 =	spop (v2sf);
	s2 =	smul.u32 $0x51EB851F, s2;
	(v2sf) =	vpush v2, $0x3  }
0x2a2: {  	s5 =	smulhi.u32 $0x51EB851F, s4;
	s4 =	sshra.s32 s4, $0x1F;
	(v2sf) =	vpush v2, $0x4  }
0x2a3: {  	s6 =	spop (v2sf);
	s4 =	smul.u32 $0x51EB851F, s4;
	(v2sf) =	vpush v2, $0x5  }
0x2a4: {  	s7 =	smulhi.u32 $0x51EB851F, s6;
	s23 =	sshra.s32 s6, $0x1F;
	(v2sf) =	vpush v2, $0x6  }
0x2a5: {  	s0 =	sadd.s32 s0, s1;
	s24 =	spop (v2sf);
	s6 =	smul.u32 $0x51EB851F, s23;
	(v2sf) =	vpush v2, $0x7  }
0x2a6: {  	s9 =	sshrl.u32 s0, $0x1F;
	s8 =	smulhi.u32 $0x51EB851F, s24;
	s1 =	sshra.s32 s24, $0x1F  }
0x2a7: {  	s3 =	sadd.s32 s2, s3;
	s25 =	spop (v2sf);
	s10 =	smul.u32 $0x51EB851F, s1  }
0x2a8: {  	s0 =	sshra.s32 s0, $0x5;
	s26 =	smulhi.u32 $0x51EB851F, s25;
	s2 =	sshra.s32 s25, $0x1F  }
0x2a9: {  	s1 =	sadd.s32 s4, s5;
	s28 =	spop (v2sf);
	s18 =	smul.u32 $0x51EB851F, s2  }
0x2aa: {  	s2 =	sadd.s32 s6, s7;
	s6 =	smulhi.u32 $0x51EB851F, s28;
	s4 =	sshra.s32 s28, $0x1F  }
0x2ab: {  	s13 =	sshrl.u32 s3, $0x1F;
	s29 =	spop (v2sf);
	s19 =	smul.u32 $0x51EB851F, s4  }
0x2ac: {  	s3 =	sshra.s32 s3, $0x5;
	s20 =	smulhi.u32 $0x51EB851F, s29;
	s7 =	sshra.s32 s29, $0x1F  }
0x2ad: {  	s11 =	sshrl.u32 s1, $0x1F;
	s21 =	smul.u32 $0x51EB851F, s7;
	s30 =	spop (v2sf)  }
0x2ae: {  	s22 =	smulhi.u32 $0x51EB851F, s30;
	s31 =	sshra.s32 s30, $0x1F;
	s23 =	spop (v2sf)  }
0x2af: {  	s7 =	sadd.s32 s18, s26;
	s18 =	smul.u32 $0x51EB851F, s31;
	s17 =	spop (v2sf)  }
0x2b0: {  	s24 =	smulhi.u32 $0x51EB851F, s23;
	s30 =	sshra.s32 s23, $0x1F;
	s23 =	spop (v2sf)  }
0x2b1: {  	s4 =	sadd.s32 s10, s8;
	s26 =	smul.u32 $0x51EB851F, s30;
	s28 =	spop (v2sf)  }
0x2b2: {  	s29 =	smulhi.u32 $0x51EB851F, s17;
	s5 =	sshra.s32 s17, $0x1F;
	s30 =	spop (v2sf)  }
0x2b3: {  	s8 =	sadd.s32 s19, s6;
	s6 =	smul.u32 $0x51EB851F, s5;
	s19 =	spop (v2sf)  }
0x2b4: {  	s5 =	sadd.s32 s21, s20;
	s20 =	smulhi.u32 $0x51EB851F, s23;
	s31 =	spop (v2sf)  }
0x2b5: {  	s12 =	sshrl.u32 s2, $0x1F;
	s17 =	smulhi.u32 $0x51EB851F, s31;
	s21 =	sshra.s32 s31, $0x1F  }
0x2b6: {  	s10 =	sshrl.u32 s4, $0x1F;
	s23 =	sshra.s32 s23, $0x1F;
	s21 =	smul.u32 $0x51EB851F, s21  }
0x2b7: {  	s25 =	sshrl.u32 s7, $0x1F;
	s18 =	sadd.s32 s18, s22;
	s23 =	smul.u32 $0x51EB851F, s23  }
0x2b8: {  	v4 =	vmov s13;
	s22 =	smulhi.u32 $0x51EB851F, s28;
	s29 =	sadd.s32 s6, s29;
	s6 =	sadd.s32 s21, s17  }
0x2b9: {  	v4 =	vsel vm0, s9, v4;
	s7 =	sshra.s32 s7, $0x5;
	s9 =	smulhi.u32 $0x51EB851F, s30;
	s17 =	sshra.s32 s6, $0x1F  }
0x2ba: {  	s20 =	sadd.s32 s23, s20;
	s23 =	sshra.s32 s28, $0x1F;
	v3 =	vmov s17;
	s17 =	sshra.s32 s18, $0x5  }
0x2bb: {  	s24 =	sadd.s32 s26, s24;
	s13 =	smul.u32 $0x51EB851F, s23;
	s23 =	sshra.s32 s18, $0x1F;
	v3 =	vsel vm3, s17, v3  }
0x2bc: {  	v28 =	vmov s3;
	s30 =	sshra.s32 s30, $0x1F;
	s21 =	sshrl.u32 s18, $0x1F;
	v3 =	vsel vm9, s23, v3;
	s23 =	sshra.s32 s24, $0x5  }
0x2bd: {  	v4 =	vsel vm1, s11, v4;
	s26 =	sshrl.u32 s8, $0x1F;
	v5 =	vmov s21;
	s21 =	smul.u32 $0x51EB851F, s30;
	s30 =	sshra.s32 s24, $0x1F;
	v3 =	vsel vm0, s23, v3  }
0x2be: {  	v4 =	vsel vm2, s12, v4;
	v6 =	vmov s25;
	s28 =	sshrl.u32 s24, $0x1F;
	s12 =	smulhi.u32 $0x51EB851F, s19;
	s23 =	sshra.s32 s29, $0x5;
	v3 =	vsel vm10, s30, v3  }
0x2bf: {  	v7 =	vmov s7;
	v6 =	vsel vm0, s10, v6;
	s19 =	sshra.s32 s19, $0x1F;
	s25 =	sshra.s32 s29, $0x1F;
	s31 =	sshrl.u32 s5, $0x1F;
	v3 =	vsel vm1, s23, v3  }
0x2c0: {  	v6 =	vsel vm1, s26, v6;
	s13 =	sadd.s32 s13, s22;
	s18 =	sshrl.u32 s29, $0x1F;
	v5 =	vnsel vm3, $0x0, v5;
	s29 =	sshra.s32 s20, $0x5;
	v3 =	vsel vm11, s25, v3  }
0x2c1: {  	s11 =	sshrl.u32 s20, $0x1F;
	v6 =	vsel vm2, s31, v6;
	v5 =	vsel vm0, s28, v5;
	s28 =	sshrl.u32 s13, $0x1F;
	s17 =	sshra.s32 s20, $0x1F;
	v3 =	vsel vm2, s29, v3  }
0x2c2: {  	v4 =	vcombine.low v6, v4;
	s9 =	sadd.s32 s21, s9;
	v5 =	vsel vm1, s18, v5;
	s24 =	smul.u32 $0x51EB851F, s19;
	s19 =	sshra.s32 s13, $0x5;
	v3 =	vsel vm12, s17, v3  }
0x2c3: {  	v6 =	vsel vm0, s0, v28;
	s21 =	sshra.s32 s4, $0x5;
	s22 =	sshra.s32 s9, $0x5;
	v5 =	vsel vm2, s11, v5;
	s20 =	sshra.s32 s13, $0x1F;
	v3 =	vsel vm4, s19, v3  }
0x2c4: {  	v7 =	vsel vm0, s21, v7;
	v5 =	vsel vm4, s28, v5;
	s30 =	sshrl.u32 s9, $0x1F;
	s12 =	sadd.s32 s24, s12;
	s24 =	sshra.s32 s8, $0x5;
	v3 =	vsel vm13, s20, v3  }
0x2c5: {  	v5 =	vsel vm5, s30, v5;
	s18 =	sshrl.u32 s12, $0x1F;
	s23 =	sshra.s32 s1, $0x5;
	v7 =	vsel vm1, s24, v7;
	s25 =	sshra.s32 s9, $0x1F;
	v3 =	vsel vm5, s22, v3  }
0x2c6: {  	s26 =	sshra.s32 s2, $0x5;
	s28 =	sshra.s32 s5, $0x5;
	v5 =	vsel vm6, s18, v5;
	v6 =	vsel vm1, s23, v6;
	s29 =	sshra.s32 s12, $0x5;
	v3 =	vsel vm14, s25, v3  }
0x2c7: {  	s30 =	sshrl.u32 s6, $0x1F;
	s31 =	sshra.s32 s12, $0x1F;
	v7 =	vsel vm2, s28, v7;
	v6 =	vsel vm2, s26, v6;
	v3 =	vsel vm6, s29, v3  }
0x2c8: {  	s1 =	sshra.s32 s6, $0x5;
	v5 =	vsel vm7, s30, v5;
	v6 =	vcombine.low v7, v6;
	v3 =	vsel vm15, s31, v3  }
0x2c9: {  	v4 =	vperm.xlane v4, v0;
	v5 =	vperm.xlane v5, v1;
	v3 =	vsel vm7, s1, v3  }
0x2ca: {  	v6 =	vperm.xlane v6, v0;
	v3 =	vperm.xlane v3, v1;
	_ =	sdelay $0x1  }
0x2cb: {  	v4 =	vsel vm8, v5, v4;
	v3 =	vsel vm8, v3, v6  }
0x2cc: {  	v3 =	vadd.s32 v4, v3  }
0x2cd: {  	v3 =	vmul.u32 $0x64, v3  }
0x2ce: {  	s18 =	sxor.u32 $0x1, s15  }
0x2cf: {  	s19 =	sshll.u32 s18, $0x7;
	v2 =	vsub.s32 v2, v3  }
0x2d0: {  	[tilespmem:s19+$0x200] =	vst v2  }
0x2d1: {  	v2 =	vld [tilespmem:s14+$0xFFFFFFA0];
	_ =	sdelay $0x4  }
0x2d2: {  	(v2sf) =	vpush v2, $0xD;
	_ =	sdelay $0x1  }
0x2d3: {  	(v2sf) =	vpush v2, $0xC;
	_ =	sdelay $0x1  }
0x2d4: {  	(v2sf) =	vpush v2, $0xE;
	_ =	sdelay $0x1  }
0x2d5: {  	(v2sf) =	vpush v2, $0xF;
	_ =	sdelay $0x1  }
0x2d6: {  	(v2sf) =	vpush v2, $0x9;
	_ =	sdelay $0x1  }
0x2d7: {  	(v2sf) =	vpush v2, $0x8;
	_ =	sdelay $0x1  }
0x2d8: {  	(v2sf) =	vpush v2, $0xA;
	_ =	sdelay $0x1  }
0x2d9: {  	(v2sf) =	vpush v2, $0xB  }
0x2da: {  	s2 =	spop (v2sf)  }
0x2db: {  	(v2sf) =	vpush v2, $0x0;
	s3 =	smulhi.u32 $0x51EB851F, s2;
	s0 =	sshra.s32 s2, $0x1F  }
0x2dc: {  	s4 =	spop (v2sf);
	s0 =	smul.u32 $0x51EB851F, s0  }
0x2dd: {  	(v2sf) =	vpush v2, $0x1;
	s5 =	smulhi.u32 $0x51EB851F, s4;
	s2 =	sshra.s32 s4, $0x1F  }
0x2de: {  	(v2sf) =	vpush v2, $0x2;
	s6 =	spop (v2sf);
	s2 =	smul.u32 $0x51EB851F, s2  }
0x2df: {  	(v2sf) =	vpush v2, $0x3;
	s7 =	smulhi.u32 $0x51EB851F, s6;
	s4 =	sshra.s32 s6, $0x1F  }
0x2e0: {  	(v2sf) =	vpush v2, $0x4;
	s9 =	spop (v2sf);
	s4 =	smul.u32 $0x51EB851F, s4  }
0x2e1: {  	(v2sf) =	vpush v2, $0x5;
	s10 =	smulhi.u32 $0x51EB851F, s9;
	s6 =	sshra.s32 s9, $0x1F  }
0x2e2: {  	(v2sf) =	vpush v2, $0x6;
	s22 =	spop (v2sf);
	s6 =	smul.u32 $0x51EB851F, s6  }
0x2e3: {  	[dreg:$0x9] =	wrdreg s15;
	(v2sf) =	vpush v2, $0x7;
	s23 =	smulhi.u32 $0x51EB851F, s22;
	s8 =	sshra.s32 s22, $0x1F  }
0x2e4: {  	s0 =	sadd.s32 s0, s3;
	s25 =	spop (v2sf);
	s8 =	smul.u32 $0x51EB851F, s8  }
0x2e5: {  	s9 =	sshrl.u32 s0, $0x1F;
	s11 =	smulhi.u32 $0x51EB851F, s25;
	s1 =	sshra.s32 s25, $0x1F  }
0x2e6: {  	s3 =	sadd.s32 s2, s5;
	s26 =	spop (v2sf);
	s12 =	smul.u32 $0x51EB851F, s1  }
0x2e7: {  	s0 =	sshra.s32 s0, $0x5;
	s17 =	smulhi.u32 $0x51EB851F, s26;
	s28 =	sshra.s32 s26, $0x1F  }
0x2e8: {  	s13 =	sshrl.u32 s3, $0x1F;
	s29 =	spop (v2sf);
	s5 =	smul.u32 $0x51EB851F, s28  }
0x2e9: {  	s3 =	sshra.s32 s3, $0x5;
	s21 =	smulhi.u32 $0x51EB851F, s29;
	s30 =	sshra.s32 s29, $0x1F  }
0x2ea: {  	s1 =	sadd.s32 s4, s7;
	s24 =	spop (v2sf);
	s31 =	smul.u32 $0x51EB851F, s30  }
0x2eb: {  	s2 =	sadd.s32 s6, s10;
	s7 =	smulhi.u32 $0x51EB851F, s24;
	s25 =	sshra.s32 s24, $0x1F  }
0x2ec: {  	s4 =	sadd.s32 s8, s23;
	s26 =	spop (v2sf);
	s10 =	smul.u32 $0x51EB851F, s25  }
0x2ed: {  	s23 =	smulhi.u32 $0x51EB851F, s26;
	s28 =	sshra.s32 s26, $0x1F;
	s29 =	spop (v2sf)  }
0x2ee: {  	s8 =	sadd.s32 s12, s11;
	s11 =	smul.u32 $0x51EB851F, s28;
	s30 =	spop (v2sf)  }
0x2ef: {  	s24 =	smulhi.u32 $0x51EB851F, s29;
	s25 =	sshra.s32 s29, $0x1F;
	s26 =	spop (v2sf)  }
0x2f0: {  	s5 =	sadd.s32 s5, s17;
	s17 =	smul.u32 $0x51EB851F, s25;
	s25 =	spop (v2sf)  }
0x2f1: {  	s28 =	smulhi.u32 $0x51EB851F, s30;
	s12 =	sshra.s32 s30, $0x1F;
	s29 =	spop (v2sf)  }
0x2f2: {  	s6 =	sadd.s32 s31, s21;
	s12 =	smul.u32 $0x51EB851F, s12;
	s31 =	spop (v2sf)  }
0x2f3: {  	s20 =	sshrl.u32 s1, $0x1F;
	s30 =	smulhi.u32 $0x51EB851F, s31;
	s21 =	sshra.s32 s31, $0x1F  }
0x2f4: {  	s22 =	sshrl.u32 s2, $0x1F;
	s1 =	sshra.s32 s1, $0x5;
	s21 =	smul.u32 $0x51EB851F, s21  }
0x2f5: {  	v29 =	vmov s13;
	s10 =	sadd.s32 s10, s7;
	s13 =	sshrl.u32 s6, $0x1F;
	s11 =	sadd.s32 s11, s23  }
0x2f6: {  	s17 =	sadd.s32 s17, s24;
	s12 =	sadd.s32 s12, s28;
	s7 =	sadd.s32 s21, s30  }
0x2f7: {  	s28 =	smulhi.u32 $0x51EB851F, s26;
	s26 =	sshra.s32 s26, $0x1F;
	s31 =	sshra.s32 s7, $0x1F  }
0x2f8: {  	s24 =	sshrl.u32 s10, $0x1F;
	s21 =	smul.u32 $0x51EB851F, s26;
	s26 =	sshra.s32 s10, $0x5;
	v3 =	vmov s31  }
0x2f9: {  	v4 =	vsel vm0, s9, v29;
	s15 =	smulhi.u32 $0x51EB851F, s25;
	s9 =	sshra.s32 s25, $0x1F;
	s10 =	sshra.s32 s10, $0x1F;
	v3 =	vsel vm3, s26, v3  }
0x2fa: {  	s23 =	sshrl.u32 s4, $0x1F;
	v30 =	vmov s24;
	s25 =	sshra.s32 s11, $0x5;
	s9 =	smul.u32 $0x51EB851F, s9;
	v3 =	vsel vm9, s10, v3  }
0x2fb: {  	v32 =	vmov s3;
	v5 =	vnsel vm3, $0x0, v30;
	s30 =	sshrl.u32 s8, $0x1F;
	s26 =	sshrl.u32 s11, $0x1F;
	s11 =	sshra.s32 s11, $0x1F;
	v3 =	vsel vm0, s25, v3  }
0x2fc: {  	v31 =	vmov s30;
	v5 =	vsel vm0, s26, v5;
	s26 =	sshra.s32 s29, $0x1F;
	s25 =	smulhi.u32 $0x51EB851F, s29;
	s29 =	sshra.s32 s17, $0x5;
	v3 =	vsel vm10, s11, v3  }
0x2fd: {  	v4 =	vsel vm1, s20, v4;
	s31 =	sshrl.u32 s5, $0x1F;
	v6 =	vsel vm0, s23, v31;
	s10 =	sshrl.u32 s17, $0x1F;
	s17 =	sshra.s32 s17, $0x1F;
	v3 =	vsel vm1, s29, v3  }
0x2fe: {  	v4 =	vsel vm2, s22, v4;
	s20 =	sshrl.u32 s12, $0x1F;
	s24 =	sshra.s32 s12, $0x5;
	s8 =	sshra.s32 s8, $0x5;
	v6 =	vsel vm1, s31, v6;
	v3 =	vsel vm11, s17, v3  }
0x2ff: {  	v6 =	vsel vm2, s13, v6;
	v5 =	vsel vm1, s10, v5;
	s10 =	sadd.s32 s21, s28;
	s30 =	smul.u32 $0x51EB851F, s26;
	s26 =	sshra.s32 s12, $0x1F;
	v3 =	vsel vm2, s24, v3  }
0x300: {  	s9 =	sadd.s32 s9, s15;
	v33 =	vmov s8;
	v4 =	vcombine.low v6, v4;
	s23 =	sshrl.u32 s10, $0x1F;
	s29 =	sshra.s32 s10, $0x5;
	v3 =	vsel vm12, s26, v3  }
0x301: {  	v6 =	vsel vm0, s0, v32;
	v5 =	vsel vm2, s20, v5;
	s25 =	sadd.s32 s30, s25;
	s10 =	sshra.s32 s10, $0x1F;
	s30 =	sshra.s32 s4, $0x5;
	v3 =	vsel vm4, s29, v3  }
0x302: {  	s3 =	sshra.s32 s5, $0x5;
	s31 =	sshra.s32 s9, $0x5;
	v6 =	vsel vm1, s1, v6;
	v7 =	vsel vm0, s30, v33;
	v3 =	vsel vm13, s10, v3  }
0x303: {  	s8 =	sshra.s32 s6, $0x5;
	s5 =	sshra.s32 s2, $0x5;
	v5 =	vsel vm4, s23, v5;
	s4 =	sshra.s32 s9, $0x1F;
	v7 =	vsel vm1, s3, v7;
	v3 =	vsel vm5, s31, v3  }
0x304: {  	s15 =	sshrl.u32 s9, $0x1F;
	v6 =	vsel vm2, s5, v6;
	s9 =	sshra.s32 s25, $0x5;
	v7 =	vsel vm2, s8, v7;
	v3 =	vsel vm14, s4, v3  }
0x305: {  	v5 =	vsel vm5, s15, v5;
	s28 =	sshrl.u32 s25, $0x1F;
	s11 =	sshra.s32 s25, $0x1F;
	v6 =	vcombine.low v7, v6;
	v3 =	vsel vm6, s9, v3  }
0x306: {  	s12 =	sshra.s32 s7, $0x5;
	v4 =	vperm.xlane v4, v0;
	v5 =	vsel vm6, s28, v5;
	s10 =	sshrl.u32 s7, $0x1F;
	v3 =	vsel vm15, s11, v3  }
0x307: {  	v5 =	vsel vm7, s10, v5;
	v6 =	vperm.xlane v6, v0;
	v3 =	vsel vm7, s12, v3  }
0x308: {  	v5 =	vperm.xlane v5, v1;
	v3 =	vperm.xlane v3, v1;
	_ =	sdelay $0x1  }
0x309: {  	v4 =	vsel vm8, v5, v4;
	v3 =	vsel vm8, v3, v6  }
0x30a: {  	v3 =	vadd.s32 v4, v3  }
0x30b: {  	v3 =	vmul.u32 $0x64, v3;
	_ =	sdelay $0x1  }
0x30c: {  	v2 =	vsub.s32 v2, v3  }
0x30d: {  	[tilespmem:s19+$0x210] =	vst v2  }
0x30e: {  	v2 =	vld [tilespmem:s14+$0xFFFFFFB0];
	_ =	sdelay $0x4  }
0x30f: {  	(v2sf) =	vpush v2, $0xD;
	_ =	sdelay $0x1  }
0x310: {  	(v2sf) =	vpush v2, $0xC;
	_ =	sdelay $0x1  }
0x311: {  	(v2sf) =	vpush v2, $0xE;
	_ =	sdelay $0x1  }
0x312: {  	(v2sf) =	vpush v2, $0xF;
	_ =	sdelay $0x1  }
0x313: {  	(v2sf) =	vpush v2, $0x9;
	_ =	sdelay $0x1  }
0x314: {  	(v2sf) =	vpush v2, $0x8;
	_ =	sdelay $0x1  }
0x315: {  	(v2sf) =	vpush v2, $0xA;
	_ =	sdelay $0x2  }
0x316: {  	(v2sf) =	vpush v2, $0xB;
	s13 =	spop (v2sf)  }
0x317: {  	s15 =	smulhi.u32 $0x51EB851F, s13;
	s0 =	sshra.s32 s13, $0x1F  }
0x318: {  	(v2sf) =	vpush v2, $0x0;
	s17 =	spop (v2sf);
	s0 =	smul.u32 $0x51EB851F, s0  }
0x319: {  	(v2sf) =	vpush v2, $0x1;
	s20 =	smulhi.u32 $0x51EB851F, s17;
	s2 =	sshra.s32 s17, $0x1F  }
0x31a: {  	(v2sf) =	vpush v2, $0x2;
	s21 =	spop (v2sf);
	s2 =	smul.u32 $0x51EB851F, s2  }
0x31b: {  	(v2sf) =	vpush v2, $0x3;
	s22 =	smulhi.u32 $0x51EB851F, s21;
	s4 =	sshra.s32 s21, $0x1F  }
0x31c: {  	(v2sf) =	vpush v2, $0x4;
	s23 =	spop (v2sf);
	s4 =	smul.u32 $0x51EB851F, s4  }
0x31d: {  	(v2sf) =	vpush v2, $0x5;
	s24 =	smulhi.u32 $0x51EB851F, s23;
	s6 =	sshra.s32 s23, $0x1F  }
0x31e: {  	(v2sf) =	vpush v2, $0x6;
	s25 =	spop (v2sf);
	s6 =	smul.u32 $0x51EB851F, s6  }
0x31f: {  	(v2sf) =	vpush v2, $0x7;
	s0 =	sadd.s32 s0, s15;
	s26 =	smulhi.u32 $0x51EB851F, s25  }
0x320: {  	s8 =	sshra.s32 s25, $0x1F;
	s28 =	spop (v2sf);
	s9 =	sshrl.u32 s0, $0x1F  }
0x321: {  	s3 =	sadd.s32 s2, s20;
	s0 =	sshra.s32 s0, $0x5;
	s8 =	smul.u32 $0x51EB851F, s8  }
0x322: {  	s11 =	smulhi.u32 $0x51EB851F, s28;
	s1 =	sshra.s32 s28, $0x1F;
	s29 =	spop (v2sf)  }
0x323: {  	s13 =	sshrl.u32 s3, $0x1F;
	s3 =	sshra.s32 s3, $0x5;
	s12 =	smul.u32 $0x51EB851F, s1  }
0x324: {  	s15 =	smulhi.u32 $0x51EB851F, s29;
	s30 =	sshra.s32 s29, $0x1F;
	s1 =	sadd.s32 s4, s22  }
0x325: {  	s22 =	spop (v2sf);
	s2 =	sadd.s32 s6, s24;
	s31 =	smul.u32 $0x51EB851F, s30  }
0x326: {  	s17 =	sshrl.u32 s1, $0x1F;
	s20 =	smulhi.u32 $0x51EB851F, s22;
	s23 =	sshra.s32 s22, $0x1F  }
0x327: {  	s24 =	spop (v2sf);
	s4 =	sadd.s32 s8, s26;
	s6 =	smul.u32 $0x51EB851F, s23  }
0x328: {  	s7 =	smulhi.u32 $0x51EB851F, s24;
	s25 =	sshra.s32 s24, $0x1F;
	s26 =	spop (v2sf)  }
0x329: {  	s8 =	sadd.s32 s12, s11;
	s10 =	smul.u32 $0x51EB851F, s25;
	s29 =	spop (v2sf)  }
0x32a: {  	s22 =	smulhi.u32 $0x51EB851F, s26;
	s28 =	sshra.s32 s26, $0x1F;
	s30 =	spop (v2sf)  }
0x32b: {  	s11 =	smul.u32 $0x51EB851F, s28;
	s24 =	sshra.s32 s29, $0x1F;
	s25 =	spop (v2sf)  }
0x32c: {  	s21 =	sshrl.u32 s2, $0x1F;
	s26 =	smul.u32 $0x51EB851F, s24;
	s24 =	spop (v2sf)  }
0x32d: {  	s5 =	sadd.s32 s31, s15;
	s23 =	smulhi.u32 $0x51EB851F, s29;
	s28 =	spop (v2sf)  }
0x32e: {  	s6 =	sadd.s32 s6, s20;
	s31 =	smulhi.u32 $0x51EB851F, s30;
	s29 =	spop (v2sf)  }
0x32f: {  	s12 =	sshra.s32 s30, $0x1F;
	s30 =	smulhi.u32 $0x51EB851F, s29;
	s20 =	sshra.s32 s29, $0x1F  }
0x330: {  	s1 =	sshra.s32 s1, $0x5;
	s10 =	sadd.s32 s10, s7;
	s20 =	smul.u32 $0x51EB851F, s20  }
0x331: {  	v34 =	vmov s13;
	s13 =	sshrl.u32 s6, $0x1F;
	s11 =	sadd.s32 s11, s22;
	s12 =	smul.u32 $0x51EB851F, s12  }
0x332: {  	s15 =	sadd.s32 s26, s23;
	s26 =	smulhi.u32 $0x51EB851F, s25;
	s7 =	sadd.s32 s20, s30  }
0x333: {  	s25 =	sshra.s32 s25, $0x1F;
	s12 =	sadd.s32 s12, s31;
	s31 =	sshra.s32 s7, $0x1F  }
0x334: {  	v4 =	vsel vm0, s9, v34;
	s9 =	sshra.s32 s24, $0x1F;
	s20 =	smul.u32 $0x51EB851F, s25;
	s25 =	sshra.s32 s10, $0x5;
	v3 =	vmov s31  }
0x335: {  	s23 =	sshrl.u32 s10, $0x1F;
	s9 =	smul.u32 $0x51EB851F, s9;
	s10 =	sshra.s32 s10, $0x1F;
	v3 =	vsel vm3, s25, v3  }
0x336: {  	v4 =	vsel vm1, s17, v4;
	s22 =	sshrl.u32 s4, $0x1F;
	v35 =	vmov s23;
	s31 =	smulhi.u32 $0x51EB851F, s24;
	s24 =	sshra.s32 s11, $0x5;
	v3 =	vsel vm9, s10, v3  }
0x337: {  	v4 =	vsel vm2, s21, v4;
	v5 =	vnsel vm3, $0x0, v35;
	s21 =	smulhi.u32 $0x51EB851F, s28;
	s25 =	sshrl.u32 s11, $0x1F;
	s11 =	sshra.s32 s11, $0x1F;
	v3 =	vsel vm0, s24, v3  }
0x338: {  	s29 =	sshrl.u32 s8, $0x1F;
	v5 =	vsel vm0, s25, v5;
	s25 =	sshra.s32 s28, $0x1F;
	s28 =	sshra.s32 s15, $0x5;
	v3 =	vsel vm10, s11, v3  }
0x339: {  	v37 =	vmov s3;
	s8 =	sshra.s32 s8, $0x5;
	v36 =	vmov s29;
	s10 =	sshrl.u32 s15, $0x1F;
	s15 =	sshra.s32 s15, $0x1F;
	v3 =	vsel vm1, s28, v3  }
0x33a: {  	s23 =	sshra.s32 s12, $0x5;
	v38 =	vmov s8;
	v6 =	vsel vm0, s22, v36;
	s30 =	sshrl.u32 s5, $0x1F;
	s29 =	smul.u32 $0x51EB851F, s25;
	v3 =	vsel vm11, s15, v3  }
0x33b: {  	v6 =	vsel vm1, s30, v6;
	s30 =	sshra.s32 s4, $0x5;
	v5 =	vsel vm1, s10, v5;
	s10 =	sadd.s32 s20, s26;
	s26 =	sshra.s32 s12, $0x1F;
	v3 =	vsel vm2, s23, v3  }
0x33c: {  	s3 =	sshra.s32 s5, $0x5;
	v6 =	vsel vm2, s13, v6;
	v7 =	vsel vm0, s30, v38;
	s25 =	sadd.s32 s29, s21;
	s29 =	sshra.s32 s10, $0x5;
	v3 =	vsel vm12, s26, v3  }
0x33d: {  	v4 =	vcombine.low v6, v4;
	v6 =	vsel vm0, s0, v37;
	s9 =	sadd.s32 s9, s31;
	s22 =	sshrl.u32 s10, $0x1F;
	s10 =	sshra.s32 s10, $0x1F;
	v3 =	vsel vm4, s29, v3  }
0x33e: {  	s8 =	sshra.s32 s6, $0x5;
	v7 =	vsel vm1, s3, v7;
	v6 =	vsel vm1, s1, v6;
	s24 =	sshrl.u32 s12, $0x1F;
	s31 =	sshra.s32 s9, $0x5;
	v3 =	vsel vm13, s10, v3  }
0x33f: {  	s5 =	sshra.s32 s2, $0x5;
	v7 =	vsel vm2, s8, v7;
	s4 =	sshra.s32 s9, $0x1F;
	v5 =	vsel vm2, s24, v5;
	v3 =	vsel vm5, s31, v3  }
0x340: {  	v6 =	vsel vm2, s5, v6;
	s24 =	sshrl.u32 s9, $0x1F;
	v5 =	vsel vm4, s22, v5;
	s9 =	sshra.s32 s25, $0x5;
	v3 =	vsel vm14, s4, v3  }
0x341: {  	v6 =	vcombine.low v7, v6;
	v5 =	vsel vm5, s24, v5;
	s28 =	sshrl.u32 s25, $0x1F;
	s11 =	sshra.s32 s25, $0x1F;
	v3 =	vsel vm6, s9, v3  }
0x342: {  	s12 =	sshra.s32 s7, $0x5;
	v4 =	vperm.xlane v4, v0;
	v5 =	vsel vm6, s28, v5;
	s10 =	sshrl.u32 s7, $0x1F;
	v3 =	vsel vm15, s11, v3  }
0x343: {  	v6 =	vperm.xlane v6, v0;
	v5 =	vsel vm7, s10, v5;
	v3 =	vsel vm7, s12, v3  }
0x344: {  	v5 =	vperm.xlane v5, v1;
	v3 =	vperm.xlane v3, v1;
	_ =	sdelay $0x1  }
0x345: {  	v4 =	vsel vm8, v5, v4;
	v3 =	vsel vm8, v3, v6  }
0x346: {  	v3 =	vadd.s32 v4, v3  }
0x347: {  	v3 =	vmul.u32 $0x64, v3;
	_ =	sdelay $0x1  }
0x348: {  	v2 =	vsub.s32 v2, v3  }
0x349: {  	[tilespmem:s19+$0x220] =	vst v2  }
0x34a: {  	v2 =	vld [tilespmem:s14+$0xFFFFFFC0];
	_ =	sdelay $0x4  }
0x34b: {  	(v2sf) =	vpush v2, $0xD;
	_ =	sdelay $0x1  }
0x34c: {  	(v2sf) =	vpush v2, $0xC;
	_ =	sdelay $0x1  }
0x34d: {  	(v2sf) =	vpush v2, $0xE;
	_ =	sdelay $0x1  }
0x34e: {  	(v2sf) =	vpush v2, $0xF;
	_ =	sdelay $0x1  }
0x34f: {  	(v2sf) =	vpush v2, $0x9;
	_ =	sdelay $0x1  }
0x350: {  	(v2sf) =	vpush v2, $0x8;
	_ =	sdelay $0x1  }
0x351: {  	(v2sf) =	vpush v2, $0xA;
	_ =	sdelay $0x2  }
0x352: {  	(v2sf) =	vpush v2, $0xB;
	s13 =	spop (v2sf)  }
0x353: {  	s15 =	smulhi.u32 $0x51EB851F, s13;
	s0 =	sshra.s32 s13, $0x1F  }
0x354: {  	(v2sf) =	vpush v2, $0x0;
	s17 =	spop (v2sf);
	s0 =	smul.u32 $0x51EB851F, s0  }
0x355: {  	(v2sf) =	vpush v2, $0x1;
	s20 =	smulhi.u32 $0x51EB851F, s17;
	s2 =	sshra.s32 s17, $0x1F  }
0x356: {  	(v2sf) =	vpush v2, $0x2;
	s21 =	spop (v2sf);
	s2 =	smul.u32 $0x51EB851F, s2  }
0x357: {  	(v2sf) =	vpush v2, $0x3;
	s22 =	smulhi.u32 $0x51EB851F, s21;
	s4 =	sshra.s32 s21, $0x1F  }
0x358: {  	(v2sf) =	vpush v2, $0x4;
	s23 =	spop (v2sf);
	s4 =	smul.u32 $0x51EB851F, s4  }
0x359: {  	(v2sf) =	vpush v2, $0x5;
	s24 =	smulhi.u32 $0x51EB851F, s23;
	s6 =	sshra.s32 s23, $0x1F  }
0x35a: {  	(v2sf) =	vpush v2, $0x6;
	s25 =	spop (v2sf);
	s6 =	smul.u32 $0x51EB851F, s6  }
0x35b: {  	(v2sf) =	vpush v2, $0x7;
	s0 =	sadd.s32 s0, s15;
	s26 =	smulhi.u32 $0x51EB851F, s25  }
0x35c: {  	s8 =	sshra.s32 s25, $0x1F;
	s28 =	spop (v2sf);
	s9 =	sshrl.u32 s0, $0x1F  }
0x35d: {  	s3 =	sadd.s32 s2, s20;
	s0 =	sshra.s32 s0, $0x5;
	s8 =	smul.u32 $0x51EB851F, s8  }
0x35e: {  	s11 =	smulhi.u32 $0x51EB851F, s28;
	s1 =	sshra.s32 s28, $0x1F;
	s29 =	spop (v2sf)  }
0x35f: {  	s13 =	sshrl.u32 s3, $0x1F;
	s3 =	sshra.s32 s3, $0x5;
	s12 =	smul.u32 $0x51EB851F, s1  }
0x360: {  	s15 =	smulhi.u32 $0x51EB851F, s29;
	s30 =	sshra.s32 s29, $0x1F;
	s1 =	sadd.s32 s4, s22  }
0x361: {  	s22 =	spop (v2sf);
	s2 =	sadd.s32 s6, s24;
	s31 =	smul.u32 $0x51EB851F, s30  }
0x362: {  	s17 =	sshrl.u32 s1, $0x1F;
	s20 =	smulhi.u32 $0x51EB851F, s22;
	s23 =	sshra.s32 s22, $0x1F  }
0x363: {  	s24 =	spop (v2sf);
	s4 =	sadd.s32 s8, s26;
	s6 =	smul.u32 $0x51EB851F, s23  }
0x364: {  	s7 =	smulhi.u32 $0x51EB851F, s24;
	s25 =	sshra.s32 s24, $0x1F;
	s26 =	spop (v2sf)  }
0x365: {  	s8 =	sadd.s32 s12, s11;
	s10 =	smul.u32 $0x51EB851F, s25;
	s29 =	spop (v2sf)  }
0x366: {  	s22 =	smulhi.u32 $0x51EB851F, s26;
	s28 =	sshra.s32 s26, $0x1F;
	s30 =	spop (v2sf)  }
0x367: {  	s11 =	smul.u32 $0x51EB851F, s28;
	s24 =	sshra.s32 s29, $0x1F;
	s25 =	spop (v2sf)  }
0x368: {  	s21 =	sshrl.u32 s2, $0x1F;
	s26 =	smul.u32 $0x51EB851F, s24;
	s24 =	spop (v2sf)  }
0x369: {  	s5 =	sadd.s32 s31, s15;
	s23 =	smulhi.u32 $0x51EB851F, s29;
	s28 =	spop (v2sf)  }
0x36a: {  	s6 =	sadd.s32 s6, s20;
	s31 =	smulhi.u32 $0x51EB851F, s30;
	s29 =	spop (v2sf)  }
0x36b: {  	s12 =	sshra.s32 s30, $0x1F;
	s30 =	smulhi.u32 $0x51EB851F, s29;
	s20 =	sshra.s32 s29, $0x1F  }
0x36c: {  	s1 =	sshra.s32 s1, $0x5;
	s10 =	sadd.s32 s10, s7;
	s20 =	smul.u32 $0x51EB851F, s20  }
0x36d: {  	v39 =	vmov s13;
	s13 =	sshrl.u32 s6, $0x1F;
	s11 =	sadd.s32 s11, s22;
	s12 =	smul.u32 $0x51EB851F, s12  }
0x36e: {  	s15 =	sadd.s32 s26, s23;
	s26 =	smulhi.u32 $0x51EB851F, s25;
	s7 =	sadd.s32 s20, s30  }
0x36f: {  	s25 =	sshra.s32 s25, $0x1F;
	s12 =	sadd.s32 s12, s31;
	s31 =	sshra.s32 s7, $0x1F  }
0x370: {  	v4 =	vsel vm0, s9, v39;
	s9 =	sshra.s32 s24, $0x1F;
	s20 =	smul.u32 $0x51EB851F, s25;
	s25 =	sshra.s32 s10, $0x5;
	v3 =	vmov s31  }
0x371: {  	s23 =	sshrl.u32 s10, $0x1F;
	s9 =	smul.u32 $0x51EB851F, s9;
	s10 =	sshra.s32 s10, $0x1F;
	v3 =	vsel vm3, s25, v3  }
0x372: {  	v4 =	vsel vm1, s17, v4;
	s22 =	sshrl.u32 s4, $0x1F;
	v40 =	vmov s23;
	s31 =	smulhi.u32 $0x51EB851F, s24;
	s24 =	sshra.s32 s11, $0x5;
	v3 =	vsel vm9, s10, v3  }
0x373: {  	v4 =	vsel vm2, s21, v4;
	v5 =	vnsel vm3, $0x0, v40;
	s21 =	smulhi.u32 $0x51EB851F, s28;
	s25 =	sshrl.u32 s11, $0x1F;
	s11 =	sshra.s32 s11, $0x1F;
	v3 =	vsel vm0, s24, v3  }
0x374: {  	s29 =	sshrl.u32 s8, $0x1F;
	v5 =	vsel vm0, s25, v5;
	s25 =	sshra.s32 s28, $0x1F;
	s28 =	sshra.s32 s15, $0x5;
	v3 =	vsel vm10, s11, v3  }
0x375: {  	v42 =	vmov s3;
	s8 =	sshra.s32 s8, $0x5;
	v41 =	vmov s29;
	s10 =	sshrl.u32 s15, $0x1F;
	s15 =	sshra.s32 s15, $0x1F;
	v3 =	vsel vm1, s28, v3  }
0x376: {  	s23 =	sshra.s32 s12, $0x5;
	v43 =	vmov s8;
	v6 =	vsel vm0, s22, v41;
	s30 =	sshrl.u32 s5, $0x1F;
	s29 =	smul.u32 $0x51EB851F, s25;
	v3 =	vsel vm11, s15, v3  }
0x377: {  	v6 =	vsel vm1, s30, v6;
	s30 =	sshra.s32 s4, $0x5;
	v5 =	vsel vm1, s10, v5;
	s10 =	sadd.s32 s20, s26;
	s26 =	sshra.s32 s12, $0x1F;
	v3 =	vsel vm2, s23, v3  }
0x378: {  	s3 =	sshra.s32 s5, $0x5;
	v6 =	vsel vm2, s13, v6;
	v7 =	vsel vm0, s30, v43;
	s25 =	sadd.s32 s29, s21;
	s29 =	sshra.s32 s10, $0x5;
	v3 =	vsel vm12, s26, v3  }
0x379: {  	v4 =	vcombine.low v6, v4;
	v6 =	vsel vm0, s0, v42;
	s9 =	sadd.s32 s9, s31;
	s22 =	sshrl.u32 s10, $0x1F;
	s10 =	sshra.s32 s10, $0x1F;
	v3 =	vsel vm4, s29, v3  }
0x37a: {  	s8 =	sshra.s32 s6, $0x5;
	v7 =	vsel vm1, s3, v7;
	v6 =	vsel vm1, s1, v6;
	s24 =	sshrl.u32 s12, $0x1F;
	s31 =	sshra.s32 s9, $0x5;
	v3 =	vsel vm13, s10, v3  }
0x37b: {  	s5 =	sshra.s32 s2, $0x5;
	v7 =	vsel vm2, s8, v7;
	s4 =	sshra.s32 s9, $0x1F;
	v5 =	vsel vm2, s24, v5;
	v3 =	vsel vm5, s31, v3  }
0x37c: {  	v6 =	vsel vm2, s5, v6;
	s24 =	sshrl.u32 s9, $0x1F;
	v5 =	vsel vm4, s22, v5;
	s9 =	sshra.s32 s25, $0x5;
	v3 =	vsel vm14, s4, v3  }
0x37d: {  	v6 =	vcombine.low v7, v6;
	v5 =	vsel vm5, s24, v5;
	s28 =	sshrl.u32 s25, $0x1F;
	s11 =	sshra.s32 s25, $0x1F;
	v3 =	vsel vm6, s9, v3  }
0x37e: {  	s12 =	sshra.s32 s7, $0x5;
	v4 =	vperm.xlane v4, v0;
	v5 =	vsel vm6, s28, v5;
	s10 =	sshrl.u32 s7, $0x1F;
	v3 =	vsel vm15, s11, v3  }
0x37f: {  	v6 =	vperm.xlane v6, v0;
	v5 =	vsel vm7, s10, v5;
	v3 =	vsel vm7, s12, v3  }
0x380: {  	v5 =	vperm.xlane v5, v1;
	v3 =	vperm.xlane v3, v1;
	_ =	sdelay $0x1  }
0x381: {  	v4 =	vsel vm8, v5, v4;
	v3 =	vsel vm8, v3, v6  }
0x382: {  	v3 =	vadd.s32 v4, v3  }
0x383: {  	v3 =	vmul.u32 $0x64, v3;
	_ =	sdelay $0x1  }
0x384: {  	v2 =	vsub.s32 v2, v3  }
0x385: {  	[tilespmem:s19+$0x230] =	vst v2  }
0x386: {  	v2 =	vld [tilespmem:s14+$0xFFFFFFD0];
	_ =	sdelay $0x4  }
0x387: {  	(v2sf) =	vpush v2, $0xD;
	_ =	sdelay $0x1  }
0x388: {  	(v2sf) =	vpush v2, $0xC;
	_ =	sdelay $0x1  }
0x389: {  	(v2sf) =	vpush v2, $0xE;
	_ =	sdelay $0x1  }
0x38a: {  	(v2sf) =	vpush v2, $0xF;
	_ =	sdelay $0x1  }
0x38b: {  	(v2sf) =	vpush v2, $0x9;
	_ =	sdelay $0x1  }
0x38c: {  	(v2sf) =	vpush v2, $0x8;
	_ =	sdelay $0x1  }
0x38d: {  	(v2sf) =	vpush v2, $0xA;
	_ =	sdelay $0x2  }
0x38e: {  	(v2sf) =	vpush v2, $0xB;
	s13 =	spop (v2sf)  }
0x38f: {  	s15 =	smulhi.u32 $0x51EB851F, s13;
	s0 =	sshra.s32 s13, $0x1F  }
0x390: {  	(v2sf) =	vpush v2, $0x0;
	s17 =	spop (v2sf);
	s0 =	smul.u32 $0x51EB851F, s0  }
0x391: {  	(v2sf) =	vpush v2, $0x1;
	s20 =	smulhi.u32 $0x51EB851F, s17;
	s2 =	sshra.s32 s17, $0x1F  }
0x392: {  	(v2sf) =	vpush v2, $0x2;
	s21 =	spop (v2sf);
	s2 =	smul.u32 $0x51EB851F, s2  }
0x393: {  	(v2sf) =	vpush v2, $0x3;
	s22 =	smulhi.u32 $0x51EB851F, s21;
	s4 =	sshra.s32 s21, $0x1F  }
0x394: {  	(v2sf) =	vpush v2, $0x4;
	s23 =	spop (v2sf);
	s4 =	smul.u32 $0x51EB851F, s4  }
0x395: {  	(v2sf) =	vpush v2, $0x5;
	s24 =	smulhi.u32 $0x51EB851F, s23;
	s6 =	sshra.s32 s23, $0x1F  }
0x396: {  	(v2sf) =	vpush v2, $0x6;
	s25 =	spop (v2sf);
	s6 =	smul.u32 $0x51EB851F, s6  }
0x397: {  	(v2sf) =	vpush v2, $0x7;
	s0 =	sadd.s32 s0, s15;
	s26 =	smulhi.u32 $0x51EB851F, s25  }
0x398: {  	s8 =	sshra.s32 s25, $0x1F;
	s28 =	spop (v2sf);
	s9 =	sshrl.u32 s0, $0x1F  }
0x399: {  	s3 =	sadd.s32 s2, s20;
	s0 =	sshra.s32 s0, $0x5;
	s8 =	smul.u32 $0x51EB851F, s8  }
0x39a: {  	s11 =	smulhi.u32 $0x51EB851F, s28;
	s1 =	sshra.s32 s28, $0x1F;
	s29 =	spop (v2sf)  }
0x39b: {  	s13 =	sshrl.u32 s3, $0x1F;
	s3 =	sshra.s32 s3, $0x5;
	s12 =	smul.u32 $0x51EB851F, s1  }
0x39c: {  	s15 =	smulhi.u32 $0x51EB851F, s29;
	s30 =	sshra.s32 s29, $0x1F;
	s1 =	sadd.s32 s4, s22  }
0x39d: {  	s22 =	spop (v2sf);
	s2 =	sadd.s32 s6, s24;
	s31 =	smul.u32 $0x51EB851F, s30  }
0x39e: {  	s17 =	sshrl.u32 s1, $0x1F;
	s20 =	smulhi.u32 $0x51EB851F, s22;
	s23 =	sshra.s32 s22, $0x1F  }
0x39f: {  	s24 =	spop (v2sf);
	s4 =	sadd.s32 s8, s26;
	s6 =	smul.u32 $0x51EB851F, s23  }
0x3a0: {  	s7 =	smulhi.u32 $0x51EB851F, s24;
	s25 =	sshra.s32 s24, $0x1F;
	s26 =	spop (v2sf)  }
0x3a1: {  	s8 =	sadd.s32 s12, s11;
	s10 =	smul.u32 $0x51EB851F, s25;
	s29 =	spop (v2sf)  }
0x3a2: {  	s22 =	smulhi.u32 $0x51EB851F, s26;
	s28 =	sshra.s32 s26, $0x1F;
	s30 =	spop (v2sf)  }
0x3a3: {  	s11 =	smul.u32 $0x51EB851F, s28;
	s24 =	sshra.s32 s29, $0x1F;
	s25 =	spop (v2sf)  }
0x3a4: {  	s21 =	sshrl.u32 s2, $0x1F;
	s26 =	smul.u32 $0x51EB851F, s24;
	s24 =	spop (v2sf)  }
0x3a5: {  	s5 =	sadd.s32 s31, s15;
	s23 =	smulhi.u32 $0x51EB851F, s29;
	s28 =	spop (v2sf)  }
0x3a6: {  	s6 =	sadd.s32 s6, s20;
	s31 =	smulhi.u32 $0x51EB851F, s30;
	s29 =	spop (v2sf)  }
0x3a7: {  	s12 =	sshra.s32 s30, $0x1F;
	s30 =	smulhi.u32 $0x51EB851F, s29;
	s20 =	sshra.s32 s29, $0x1F  }
0x3a8: {  	s1 =	sshra.s32 s1, $0x5;
	s10 =	sadd.s32 s10, s7;
	s20 =	smul.u32 $0x51EB851F, s20  }
0x3a9: {  	v44 =	vmov s13;
	s13 =	sshrl.u32 s6, $0x1F;
	s11 =	sadd.s32 s11, s22;
	s12 =	smul.u32 $0x51EB851F, s12  }
0x3aa: {  	s15 =	sadd.s32 s26, s23;
	s26 =	smulhi.u32 $0x51EB851F, s25;
	s7 =	sadd.s32 s20, s30  }
0x3ab: {  	s25 =	sshra.s32 s25, $0x1F;
	s12 =	sadd.s32 s12, s31;
	s31 =	sshra.s32 s7, $0x1F  }
0x3ac: {  	v4 =	vsel vm0, s9, v44;
	s9 =	sshra.s32 s24, $0x1F;
	s20 =	smul.u32 $0x51EB851F, s25;
	s25 =	sshra.s32 s10, $0x5;
	v3 =	vmov s31  }
0x3ad: {  	s23 =	sshrl.u32 s10, $0x1F;
	s9 =	smul.u32 $0x51EB851F, s9;
	s10 =	sshra.s32 s10, $0x1F;
	v3 =	vsel vm3, s25, v3  }
0x3ae: {  	v4 =	vsel vm1, s17, v4;
	s22 =	sshrl.u32 s4, $0x1F;
	v45 =	vmov s23;
	s31 =	smulhi.u32 $0x51EB851F, s24;
	s24 =	sshra.s32 s11, $0x5;
	v3 =	vsel vm9, s10, v3  }
0x3af: {  	v4 =	vsel vm2, s21, v4;
	v5 =	vnsel vm3, $0x0, v45;
	s21 =	smulhi.u32 $0x51EB851F, s28;
	s25 =	sshrl.u32 s11, $0x1F;
	s11 =	sshra.s32 s11, $0x1F;
	v3 =	vsel vm0, s24, v3  }
0x3b0: {  	s29 =	sshrl.u32 s8, $0x1F;
	v5 =	vsel vm0, s25, v5;
	s25 =	sshra.s32 s28, $0x1F;
	s28 =	sshra.s32 s15, $0x5;
	v3 =	vsel vm10, s11, v3  }
0x3b1: {  	v47 =	vmov s3;
	s8 =	sshra.s32 s8, $0x5;
	v46 =	vmov s29;
	s10 =	sshrl.u32 s15, $0x1F;
	s15 =	sshra.s32 s15, $0x1F;
	v3 =	vsel vm1, s28, v3  }
0x3b2: {  	s23 =	sshra.s32 s12, $0x5;
	v48 =	vmov s8;
	v6 =	vsel vm0, s22, v46;
	s30 =	sshrl.u32 s5, $0x1F;
	s29 =	smul.u32 $0x51EB851F, s25;
	v3 =	vsel vm11, s15, v3  }
0x3b3: {  	v6 =	vsel vm1, s30, v6;
	s30 =	sshra.s32 s4, $0x5;
	v5 =	vsel vm1, s10, v5;
	s10 =	sadd.s32 s20, s26;
	s26 =	sshra.s32 s12, $0x1F;
	v3 =	vsel vm2, s23, v3  }
0x3b4: {  	s3 =	sshra.s32 s5, $0x5;
	v6 =	vsel vm2, s13, v6;
	v7 =	vsel vm0, s30, v48;
	s25 =	sadd.s32 s29, s21;
	s29 =	sshra.s32 s10, $0x5;
	v3 =	vsel vm12, s26, v3  }
0x3b5: {  	v4 =	vcombine.low v6, v4;
	v6 =	vsel vm0, s0, v47;
	s9 =	sadd.s32 s9, s31;
	s22 =	sshrl.u32 s10, $0x1F;
	s10 =	sshra.s32 s10, $0x1F;
	v3 =	vsel vm4, s29, v3  }
0x3b6: {  	s8 =	sshra.s32 s6, $0x5;
	v7 =	vsel vm1, s3, v7;
	v6 =	vsel vm1, s1, v6;
	s24 =	sshrl.u32 s12, $0x1F;
	s31 =	sshra.s32 s9, $0x5;
	v3 =	vsel vm13, s10, v3  }
0x3b7: {  	s5 =	sshra.s32 s2, $0x5;
	v7 =	vsel vm2, s8, v7;
	s4 =	sshra.s32 s9, $0x1F;
	v5 =	vsel vm2, s24, v5;
	v3 =	vsel vm5, s31, v3  }
0x3b8: {  	v6 =	vsel vm2, s5, v6;
	s24 =	sshrl.u32 s9, $0x1F;
	v5 =	vsel vm4, s22, v5;
	s9 =	sshra.s32 s25, $0x5;
	v3 =	vsel vm14, s4, v3  }
0x3b9: {  	v6 =	vcombine.low v7, v6;
	v5 =	vsel vm5, s24, v5;
	s28 =	sshrl.u32 s25, $0x1F;
	s11 =	sshra.s32 s25, $0x1F;
	v3 =	vsel vm6, s9, v3  }
0x3ba: {  	s12 =	sshra.s32 s7, $0x5;
	v4 =	vperm.xlane v4, v0;
	v5 =	vsel vm6, s28, v5;
	s10 =	sshrl.u32 s7, $0x1F;
	v3 =	vsel vm15, s11, v3  }
0x3bb: {  	v6 =	vperm.xlane v6, v0;
	v5 =	vsel vm7, s10, v5;
	v3 =	vsel vm7, s12, v3  }
0x3bc: {  	v5 =	vperm.xlane v5, v1;
	v3 =	vperm.xlane v3, v1;
	_ =	sdelay $0x1  }
0x3bd: {  	v4 =	vsel vm8, v5, v4;
	v3 =	vsel vm8, v3, v6  }
0x3be: {  	v3 =	vadd.s32 v4, v3  }
0x3bf: {  	v3 =	vmul.u32 $0x64, v3;
	_ =	sdelay $0x1  }
0x3c0: {  	v2 =	vsub.s32 v2, v3  }
0x3c1: {  	[tilespmem:s19+$0x240] =	vst v2  }
0x3c2: {  	v2 =	vld [tilespmem:s14+$0xFFFFFFE0];
	_ =	sdelay $0x4  }
0x3c3: {  	(v2sf) =	vpush v2, $0xD;
	_ =	sdelay $0x1  }
0x3c4: {  	(v2sf) =	vpush v2, $0xC;
	_ =	sdelay $0x1  }
0x3c5: {  	(v2sf) =	vpush v2, $0xE;
	_ =	sdelay $0x1  }
0x3c6: {  	(v2sf) =	vpush v2, $0xF;
	_ =	sdelay $0x1  }
0x3c7: {  	(v2sf) =	vpush v2, $0x9;
	_ =	sdelay $0x1  }
0x3c8: {  	(v2sf) =	vpush v2, $0x8;
	_ =	sdelay $0x1  }
0x3c9: {  	(v2sf) =	vpush v2, $0xA;
	_ =	sdelay $0x2  }
0x3ca: {  	(v2sf) =	vpush v2, $0xB;
	s13 =	spop (v2sf)  }
0x3cb: {  	s15 =	smulhi.u32 $0x51EB851F, s13;
	s0 =	sshra.s32 s13, $0x1F  }
0x3cc: {  	(v2sf) =	vpush v2, $0x0;
	s17 =	spop (v2sf);
	s0 =	smul.u32 $0x51EB851F, s0  }
0x3cd: {  	(v2sf) =	vpush v2, $0x1;
	s20 =	smulhi.u32 $0x51EB851F, s17;
	s2 =	sshra.s32 s17, $0x1F  }
0x3ce: {  	(v2sf) =	vpush v2, $0x2;
	s21 =	spop (v2sf);
	s2 =	smul.u32 $0x51EB851F, s2  }
0x3cf: {  	(v2sf) =	vpush v2, $0x3;
	s22 =	smulhi.u32 $0x51EB851F, s21;
	s4 =	sshra.s32 s21, $0x1F  }
0x3d0: {  	(v2sf) =	vpush v2, $0x4;
	s23 =	spop (v2sf);
	s4 =	smul.u32 $0x51EB851F, s4  }
0x3d1: {  	(v2sf) =	vpush v2, $0x5;
	s24 =	smulhi.u32 $0x51EB851F, s23;
	s6 =	sshra.s32 s23, $0x1F  }
0x3d2: {  	(v2sf) =	vpush v2, $0x6;
	s25 =	spop (v2sf);
	s6 =	smul.u32 $0x51EB851F, s6  }
0x3d3: {  	(v2sf) =	vpush v2, $0x7;
	s0 =	sadd.s32 s0, s15;
	s26 =	smulhi.u32 $0x51EB851F, s25  }
0x3d4: {  	s8 =	sshra.s32 s25, $0x1F;
	s28 =	spop (v2sf);
	s9 =	sshrl.u32 s0, $0x1F  }
0x3d5: {  	s3 =	sadd.s32 s2, s20;
	s0 =	sshra.s32 s0, $0x5;
	s8 =	smul.u32 $0x51EB851F, s8  }
0x3d6: {  	s11 =	smulhi.u32 $0x51EB851F, s28;
	s1 =	sshra.s32 s28, $0x1F;
	s29 =	spop (v2sf)  }
0x3d7: {  	s13 =	sshrl.u32 s3, $0x1F;
	s3 =	sshra.s32 s3, $0x5;
	s12 =	smul.u32 $0x51EB851F, s1  }
0x3d8: {  	s15 =	smulhi.u32 $0x51EB851F, s29;
	s30 =	sshra.s32 s29, $0x1F;
	s1 =	sadd.s32 s4, s22  }
0x3d9: {  	s22 =	spop (v2sf);
	s2 =	sadd.s32 s6, s24;
	s31 =	smul.u32 $0x51EB851F, s30  }
0x3da: {  	s17 =	sshrl.u32 s1, $0x1F;
	s20 =	smulhi.u32 $0x51EB851F, s22;
	s23 =	sshra.s32 s22, $0x1F  }
0x3db: {  	s24 =	spop (v2sf);
	s4 =	sadd.s32 s8, s26;
	s6 =	smul.u32 $0x51EB851F, s23  }
0x3dc: {  	s7 =	smulhi.u32 $0x51EB851F, s24;
	s25 =	sshra.s32 s24, $0x1F;
	s26 =	spop (v2sf)  }
0x3dd: {  	s8 =	sadd.s32 s12, s11;
	s10 =	smul.u32 $0x51EB851F, s25;
	s29 =	spop (v2sf)  }
0x3de: {  	s22 =	smulhi.u32 $0x51EB851F, s26;
	s28 =	sshra.s32 s26, $0x1F;
	s30 =	spop (v2sf)  }
0x3df: {  	s11 =	smul.u32 $0x51EB851F, s28;
	s24 =	sshra.s32 s29, $0x1F;
	s25 =	spop (v2sf)  }
0x3e0: {  	s21 =	sshrl.u32 s2, $0x1F;
	s26 =	smul.u32 $0x51EB851F, s24;
	s24 =	spop (v2sf)  }
0x3e1: {  	s5 =	sadd.s32 s31, s15;
	s23 =	smulhi.u32 $0x51EB851F, s29;
	s28 =	spop (v2sf)  }
0x3e2: {  	s6 =	sadd.s32 s6, s20;
	s31 =	smulhi.u32 $0x51EB851F, s30;
	s29 =	spop (v2sf)  }
0x3e3: {  	s12 =	sshra.s32 s30, $0x1F;
	s30 =	smulhi.u32 $0x51EB851F, s29;
	s20 =	sshra.s32 s29, $0x1F  }
0x3e4: {  	s1 =	sshra.s32 s1, $0x5;
	s10 =	sadd.s32 s10, s7;
	s20 =	smul.u32 $0x51EB851F, s20  }
0x3e5: {  	v49 =	vmov s13;
	s13 =	sshrl.u32 s6, $0x1F;
	s11 =	sadd.s32 s11, s22;
	s12 =	smul.u32 $0x51EB851F, s12  }
0x3e6: {  	s15 =	sadd.s32 s26, s23;
	s26 =	smulhi.u32 $0x51EB851F, s25;
	s7 =	sadd.s32 s20, s30  }
0x3e7: {  	s25 =	sshra.s32 s25, $0x1F;
	s12 =	sadd.s32 s12, s31;
	s31 =	sshra.s32 s7, $0x1F  }
0x3e8: {  	v4 =	vsel vm0, s9, v49;
	s9 =	sshra.s32 s24, $0x1F;
	s20 =	smul.u32 $0x51EB851F, s25;
	s25 =	sshra.s32 s10, $0x5;
	v3 =	vmov s31  }
0x3e9: {  	s23 =	sshrl.u32 s10, $0x1F;
	s9 =	smul.u32 $0x51EB851F, s9;
	s10 =	sshra.s32 s10, $0x1F;
	v3 =	vsel vm3, s25, v3  }
0x3ea: {  	v4 =	vsel vm1, s17, v4;
	s22 =	sshrl.u32 s4, $0x1F;
	v50 =	vmov s23;
	s31 =	smulhi.u32 $0x51EB851F, s24;
	s24 =	sshra.s32 s11, $0x5;
	v3 =	vsel vm9, s10, v3  }
0x3eb: {  	v4 =	vsel vm2, s21, v4;
	v5 =	vnsel vm3, $0x0, v50;
	s21 =	smulhi.u32 $0x51EB851F, s28;
	s25 =	sshrl.u32 s11, $0x1F;
	s11 =	sshra.s32 s11, $0x1F;
	v3 =	vsel vm0, s24, v3  }
0x3ec: {  	s29 =	sshrl.u32 s8, $0x1F;
	v5 =	vsel vm0, s25, v5;
	s25 =	sshra.s32 s28, $0x1F;
	s28 =	sshra.s32 s15, $0x5;
	v3 =	vsel vm10, s11, v3  }
0x3ed: {  	v52 =	vmov s3;
	s8 =	sshra.s32 s8, $0x5;
	v51 =	vmov s29;
	s10 =	sshrl.u32 s15, $0x1F;
	s15 =	sshra.s32 s15, $0x1F;
	v3 =	vsel vm1, s28, v3  }
0x3ee: {  	s23 =	sshra.s32 s12, $0x5;
	v53 =	vmov s8;
	v6 =	vsel vm0, s22, v51;
	s30 =	sshrl.u32 s5, $0x1F;
	s29 =	smul.u32 $0x51EB851F, s25;
	v3 =	vsel vm11, s15, v3  }
0x3ef: {  	v6 =	vsel vm1, s30, v6;
	s30 =	sshra.s32 s4, $0x5;
	v5 =	vsel vm1, s10, v5;
	s10 =	sadd.s32 s20, s26;
	s26 =	sshra.s32 s12, $0x1F;
	v3 =	vsel vm2, s23, v3  }
0x3f0: {  	s3 =	sshra.s32 s5, $0x5;
	v6 =	vsel vm2, s13, v6;
	v7 =	vsel vm0, s30, v53;
	s25 =	sadd.s32 s29, s21;
	s29 =	sshra.s32 s10, $0x5;
	v3 =	vsel vm12, s26, v3  }
0x3f1: {  	v4 =	vcombine.low v6, v4;
	v6 =	vsel vm0, s0, v52;
	s9 =	sadd.s32 s9, s31;
	s22 =	sshrl.u32 s10, $0x1F;
	s10 =	sshra.s32 s10, $0x1F;
	v3 =	vsel vm4, s29, v3  }
0x3f2: {  	s8 =	sshra.s32 s6, $0x5;
	v7 =	vsel vm1, s3, v7;
	v6 =	vsel vm1, s1, v6;
	s24 =	sshrl.u32 s12, $0x1F;
	s31 =	sshra.s32 s9, $0x5;
	v3 =	vsel vm13, s10, v3  }
0x3f3: {  	s5 =	sshra.s32 s2, $0x5;
	v7 =	vsel vm2, s8, v7;
	s4 =	sshra.s32 s9, $0x1F;
	v5 =	vsel vm2, s24, v5;
	v3 =	vsel vm5, s31, v3  }
0x3f4: {  	v6 =	vsel vm2, s5, v6;
	s24 =	sshrl.u32 s9, $0x1F;
	v5 =	vsel vm4, s22, v5;
	s9 =	sshra.s32 s25, $0x5;
	v3 =	vsel vm14, s4, v3  }
0x3f5: {  	v6 =	vcombine.low v7, v6;
	v5 =	vsel vm5, s24, v5;
	s28 =	sshrl.u32 s25, $0x1F;
	s11 =	sshra.s32 s25, $0x1F;
	v3 =	vsel vm6, s9, v3  }
0x3f6: {  	s12 =	sshra.s32 s7, $0x5;
	v4 =	vperm.xlane v4, v0;
	v5 =	vsel vm6, s28, v5;
	s10 =	sshrl.u32 s7, $0x1F;
	v3 =	vsel vm15, s11, v3  }
0x3f7: {  	v6 =	vperm.xlane v6, v0;
	v5 =	vsel vm7, s10, v5;
	v3 =	vsel vm7, s12, v3  }
0x3f8: {  	v5 =	vperm.xlane v5, v1;
	v3 =	vperm.xlane v3, v1;
	_ =	sdelay $0x1  }
0x3f9: {  	v4 =	vsel vm8, v5, v4;
	v3 =	vsel vm8, v3, v6  }
0x3fa: {  	v3 =	vadd.s32 v4, v3  }
0x3fb: {  	v3 =	vmul.u32 $0x64, v3;
	_ =	sdelay $0x1  }
0x3fc: {  	v2 =	vsub.s32 v2, v3  }
0x3fd: {  	[tilespmem:s19+$0x250] =	vst v2  }
0x3fe: {  	v2 =	vld [tilespmem:s14+$0xFFFFFFF0];
	_ =	sdelay $0x4  }
0x3ff: {  	(v2sf) =	vpush v2, $0xD;
	_ =	sdelay $0x1  }
0x400: {  	(v2sf) =	vpush v2, $0xC;
	_ =	sdelay $0x1  }
0x401: {  	(v2sf) =	vpush v2, $0xE;
	_ =	sdelay $0x1  }
0x402: {  	(v2sf) =	vpush v2, $0xF;
	_ =	sdelay $0x1  }
0x403: {  	(v2sf) =	vpush v2, $0x9;
	_ =	sdelay $0x1  }
0x404: {  	(v2sf) =	vpush v2, $0x8;
	_ =	sdelay $0x1  }
0x405: {  	(v2sf) =	vpush v2, $0xA;
	_ =	sdelay $0x1  }
0x406: {  	(v2sf) =	vpush v2, $0xB  }
0x407: {  	s13 =	spop (v2sf)  }
0x408: {  	(v2sf) =	vpush v2, $0x0;
	s15 =	smulhi.u32 $0x51EB851F, s13;
	s0 =	sshra.s32 s13, $0x1F  }
0x409: {  	s17 =	spop (v2sf);
	s0 =	smul.u32 $0x51EB851F, s0  }
0x40a: {  	(v2sf) =	vpush v2, $0x1;
	s20 =	smulhi.u32 $0x51EB851F, s17;
	s2 =	sshra.s32 s17, $0x1F  }
0x40b: {  	(v2sf) =	vpush v2, $0x2;
	s21 =	spop (v2sf);
	s2 =	smul.u32 $0x51EB851F, s2  }
0x40c: {  	(v2sf) =	vpush v2, $0x3;
	s22 =	smulhi.u32 $0x51EB851F, s21;
	s4 =	sshra.s32 s21, $0x1F  }
0x40d: {  	(v2sf) =	vpush v2, $0x4;
	s23 =	spop (v2sf);
	s4 =	smul.u32 $0x51EB851F, s4  }
0x40e: {  	(v2sf) =	vpush v2, $0x5;
	s24 =	smulhi.u32 $0x51EB851F, s23;
	s6 =	sshra.s32 s23, $0x1F  }
0x40f: {  	(v2sf) =	vpush v2, $0x6;
	s25 =	spop (v2sf);
	s6 =	smul.u32 $0x51EB851F, s6  }
0x410: {  	(v2sf) =	vpush v2, $0x7;
	s26 =	smulhi.u32 $0x51EB851F, s25;
	s8 =	sshra.s32 s25, $0x1F  }
0x411: {  	s0 =	sadd.s32 s0, s15;
	s28 =	spop (v2sf);
	s8 =	smul.u32 $0x51EB851F, s8  }
0x412: {  	s9 =	sshrl.u32 s0, $0x1F;
	s11 =	smulhi.u32 $0x51EB851F, s28;
	s1 =	sshra.s32 s28, $0x1F  }
0x413: {  	s3 =	sadd.s32 s2, s20;
	s29 =	spop (v2sf);
	s12 =	smul.u32 $0x51EB851F, s1  }
0x414: {  	s0 =	sshra.s32 s0, $0x5;
	s15 =	smulhi.u32 $0x51EB851F, s29;
	s30 =	sshra.s32 s29, $0x1F  }
0x415: {  	s1 =	sadd.s32 s4, s22;
	s22 =	spop (v2sf);
	s31 =	smul.u32 $0x51EB851F, s30  }
0x416: {  	s13 =	sshrl.u32 s3, $0x1F;
	s20 =	smulhi.u32 $0x51EB851F, s22;
	s23 =	sshra.s32 s22, $0x1F  }
0x417: {  	s2 =	sadd.s32 s6, s24;
	s24 =	spop (v2sf);
	s6 =	smul.u32 $0x51EB851F, s23  }
0x418: {  	s3 =	sshra.s32 s3, $0x5;
	s7 =	smulhi.u32 $0x51EB851F, s24;
	s25 =	sshra.s32 s24, $0x1F  }
0x419: {  	s4 =	sadd.s32 s8, s26;
	s26 =	spop (v2sf);
	s10 =	smul.u32 $0x51EB851F, s25  }
0x41a: {  	s22 =	smulhi.u32 $0x51EB851F, s26;
	s28 =	sshra.s32 s26, $0x1F;
	s29 =	spop (v2sf)  }
0x41b: {  	s8 =	sadd.s32 s12, s11;
	s11 =	smul.u32 $0x51EB851F, s28;
	s30 =	spop (v2sf)  }
0x41c: {  	s23 =	smulhi.u32 $0x51EB851F, s29;
	s24 =	sshra.s32 s29, $0x1F;
	s25 =	spop (v2sf)  }
0x41d: {  	s5 =	sadd.s32 s31, s15;
	s26 =	smul.u32 $0x51EB851F, s24;
	s24 =	spop (v2sf)  }
0x41e: {  	s31 =	smulhi.u32 $0x51EB851F, s30;
	s12 =	sshra.s32 s30, $0x1F;
	s28 =	spop (v2sf)  }
0x41f: {  	s17 =	sshrl.u32 s1, $0x1F;
	s12 =	smul.u32 $0x51EB851F, s12;
	s29 =	spop (v2sf)  }
0x420: {  	s6 =	sadd.s32 s6, s20;
	s30 =	smulhi.u32 $0x51EB851F, s29;
	s20 =	sshra.s32 s29, $0x1F  }
0x421: {  	s21 =	sshrl.u32 s2, $0x1F;
	s10 =	sadd.s32 s10, s7;
	s20 =	smul.u32 $0x51EB851F, s20  }
0x422: {  	v54 =	vmov s13;
	s13 =	sshrl.u32 s6, $0x1F;
	s15 =	sadd.s32 s26, s23;
	s26 =	smulhi.u32 $0x51EB851F, s25  }
0x423: {  	v4 =	vsel vm0, s9, v54;
	s25 =	sshra.s32 s25, $0x1F;
	s9 =	sshra.s32 s24, $0x1F;
	s7 =	sadd.s32 s20, s30  }
0x424: {  	s12 =	sadd.s32 s12, s31;
	s9 =	smul.u32 $0x51EB851F, s9;
	s31 =	sshra.s32 s7, $0x1F  }
0x425: {  	v4 =	vsel vm1, s17, v4;
	s11 =	sadd.s32 s11, s22;
	s20 =	smul.u32 $0x51EB851F, s25;
	s25 =	sshra.s32 s10, $0x5;
	v3 =	vmov s31  }
0x426: {  	v4 =	vsel vm2, s21, v4;
	s23 =	sshrl.u32 s10, $0x1F;
	s21 =	smulhi.u32 $0x51EB851F, s28;
	s10 =	sshra.s32 s10, $0x1F;
	v3 =	vsel vm3, s25, v3  }
0x427: {  	s22 =	sshrl.u32 s4, $0x1F;
	v55 =	vmov s23;
	s31 =	smulhi.u32 $0x51EB851F, s24;
	s24 =	sshra.s32 s11, $0x5;
	v3 =	vsel vm9, s10, v3  }
0x428: {  	v5 =	vnsel vm3, $0x0, v55;
	s29 =	sshrl.u32 s8, $0x1F;
	s25 =	sshrl.u32 s11, $0x1F;
	s11 =	sshra.s32 s11, $0x1F;
	v3 =	vsel vm0, s24, v3  }
0x429: {  	s23 =	sshra.s32 s12, $0x5;
	v5 =	vsel vm0, s25, v5;
	s25 =	sshra.s32 s28, $0x1F;
	s28 =	sshra.s32 s15, $0x5;
	v3 =	vsel vm10, s11, v3  }
0x42a: {  	v57 =	vmov s3;
	s8 =	sshra.s32 s8, $0x5;
	v56 =	vmov s29;
	s10 =	sshrl.u32 s15, $0x1F;
	s15 =	sshra.s32 s15, $0x1F;
	v3 =	vsel vm1, s28, v3  }
0x42b: {  	v58 =	vmov s8;
	s8 =	sshra.s32 s5, $0x5;
	v6 =	vsel vm0, s22, v56;
	s30 =	sshrl.u32 s5, $0x1F;
	s29 =	smul.u32 $0x51EB851F, s25;
	v3 =	vsel vm11, s15, v3  }
0x42c: {  	v6 =	vsel vm1, s30, v6;
	s30 =	sshra.s32 s4, $0x5;
	v5 =	vsel vm1, s10, v5;
	s10 =	sadd.s32 s20, s26;
	s26 =	sshra.s32 s12, $0x1F;
	v3 =	vsel vm2, s23, v3  }
0x42d: {  	v6 =	vsel vm2, s13, v6;
	v7 =	vsel vm0, s30, v58;
	s9 =	sadd.s32 s9, s31;
	s25 =	sadd.s32 s29, s21;
	s29 =	sshra.s32 s10, $0x5;
	v3 =	vsel vm12, s26, v3  }
0x42e: {  	v4 =	vcombine.low v6, v4;
	v6 =	vsel vm0, s0, v57;
	s24 =	sshrl.u32 s12, $0x1F;
	s22 =	sshrl.u32 s10, $0x1F;
	s10 =	sshra.s32 s10, $0x1F;
	v3 =	vsel vm4, s29, v3  }
0x42f: {  	s1 =	sshra.s32 s1, $0x5;
	v7 =	vsel vm1, s8, v7;
	s31 =	sshra.s32 s9, $0x5;
	v5 =	vsel vm2, s24, v5;
	v3 =	vsel vm13, s10, v3  }
0x430: {  	v6 =	vsel vm1, s1, v6;
	s24 =	sshrl.u32 s9, $0x1F;
	s9 =	sshra.s32 s9, $0x1F;
	s11 =	sshra.s32 s6, $0x5;
	v5 =	vsel vm4, s22, v5;
	v3 =	vsel vm5, s31, v3  }
0x431: {  	v7 =	vsel vm2, s11, v7;
	v5 =	vsel vm5, s24, v5;
	s28 =	sshrl.u32 s25, $0x1F;
	s12 =	sshra.s32 s25, $0x5;
	s10 =	sshra.s32 s2, $0x5;
	v3 =	vsel vm14, s9, v3  }
0x432: {  	s13 =	sshrl.u32 s7, $0x1F;
	s15 =	sshra.s32 s25, $0x1F;
	v5 =	vsel vm6, s28, v5;
	v6 =	vsel vm2, s10, v6;
	v3 =	vsel vm6, s12, v3  }
0x433: {  	s17 =	sshra.s32 s7, $0x5;
	v5 =	vsel vm7, s13, v5;
	v6 =	vcombine.low v7, v6;
	v3 =	vsel vm15, s15, v3  }
0x434: {  	v4 =	vperm.xlane v4, v0;
	v5 =	vperm.xlane v5, v1;
	v3 =	vsel vm7, s17, v3  }
0x435: {  	v6 =	vperm.xlane v6, v0;
	v3 =	vperm.xlane v3, v1;
	_ =	sdelay $0x1  }
0x436: {  	v4 =	vsel vm8, v5, v4;
	v3 =	vsel vm8, v3, v6  }
0x437: {  	v3 =	vadd.s32 v4, v3  }
0x438: {  	v3 =	vmul.u32 $0x64, v3;
	_ =	sdelay $0x1  }
0x439: {  	v2 =	vsub.s32 v2, v3  }
0x43a: {  	[tilespmem:s19+$0x260] =	vst v2  }
0x43b: {  	v2 =	vld [tilespmem:s14+$0x0];
	_ =	sdelay $0x4  }
0x43c: {  	(v2sf) =	vpush v2, $0xD;
	_ =	sdelay $0x1  }
0x43d: {  	(v2sf) =	vpush v2, $0xC;
	_ =	sdelay $0x1  }
0x43e: {  	(v2sf) =	vpush v2, $0xE;
	_ =	sdelay $0x1  }
0x43f: {  	(v2sf) =	vpush v2, $0xF;
	_ =	sdelay $0x1  }
0x440: {  	(v2sf) =	vpush v2, $0x9;
	_ =	sdelay $0x1  }
0x441: {  	(v2sf) =	vpush v2, $0x8;
	_ =	sdelay $0x1  }
0x442: {  	(v2sf) =	vpush v2, $0xA;
	_ =	sdelay $0x1  }
0x443: {  	(v2sf) =	vpush v2, $0xB  }
0x444: {  	s20 =	spop (v2sf)  }
0x445: {  	(v2sf) =	vpush v2, $0x0;
	s1 =	smulhi.u32 $0x51EB851F, s20;
	s0 =	sshra.s32 s20, $0x1F  }
0x446: {  	s21 =	spop (v2sf);
	s0 =	smul.u32 $0x51EB851F, s0  }
0x447: {  	(v2sf) =	vpush v2, $0x1;
	s3 =	smulhi.u32 $0x51EB851F, s21;
	s2 =	sshra.s32 s21, $0x1F  }
0x448: {  	(v2sf) =	vpush v2, $0x2;
	s22 =	spop (v2sf);
	s5 =	smul.u32 $0x51EB851F, s2  }
0x449: {  	s6 =	smulhi.u32 $0x51EB851F, s22;
	s23 =	sshra.s32 s22, $0x1F  }
0x44a: {  	(v2sf) =	vpush v2, $0x3;
	s24 =	spop (v2sf);
	s7 =	smul.u32 $0x51EB851F, s23  }
0x44b: {  	(v2sf) =	vpush v2, $0x4;
	s8 =	smulhi.u32 $0x51EB851F, s24;
	s25 =	sshra.s32 s24, $0x1F  }
0x44c: {  	(v2sf) =	vpush v2, $0x5;
	s26 =	spop (v2sf);
	s10 =	smul.u32 $0x51EB851F, s25  }
0x44d: {  	(v2sf) =	vpush v2, $0x6;
	s11 =	smulhi.u32 $0x51EB851F, s26;
	s4 =	sshra.s32 s26, $0x1F  }
0x44e: {  	(v2sf) =	vpush v2, $0x7;
	s28 =	spop (v2sf);
	s12 =	smul.u32 $0x51EB851F, s4  }
0x44f: {  	s13 =	smulhi.u32 $0x51EB851F, s28;
	s2 =	sshra.s32 s28, $0x1F  }
0x450: {  	s29 =	spop (v2sf);
	s17 =	smul.u32 $0x51EB851F, s2  }
0x451: {  	s21 =	smulhi.u32 $0x51EB851F, s29;
	s29 =	sshra.s32 s29, $0x1F  }
0x452: {  	s4 =	sadd.s32 s5, s3;
	s30 =	spop (v2sf);
	s23 =	smul.u32 $0x51EB851F, s29  }
0x453: {  	s2 =	sadd.s32 s0, s1;
	s25 =	smulhi.u32 $0x51EB851F, s30;
	s30 =	sshra.s32 s30, $0x1F  }
0x454: {  	s1 =	sadd.s32 s7, s6;
	s31 =	spop (v2sf);
	s28 =	smul.u32 $0x51EB851F, s30  }
0x455: {  	s0 =	sadd.s32 s10, s8;
	s30 =	smulhi.u32 $0x51EB851F, s31;
	s31 =	sshra.s32 s31, $0x1F  }
0x456: {  	s7 =	sadd.s32 s12, s11;
	s20 =	spop (v2sf);
	s15 =	smul.u32 $0x51EB851F, s31  }
0x457: {  	s22 =	spop (v2sf);
	s5 =	smulhi.u32 $0x51EB851F, s20;
	s3 =	sshra.s32 s20, $0x1F  }
0x458: {  	s20 =	sshrl.u32 s2, $0x1F;
	s6 =	sadd.s32 s23, s21;
	s31 =	smul.u32 $0x51EB851F, s3  }
0x459: {  	s2 =	sshra.s32 s2, $0x5;
	s24 =	spop (v2sf);
	s10 =	smulhi.u32 $0x51EB851F, s22  }
0x45a: {  	s8 =	sshra.s32 s22, $0x1F;
	s22 =	sshrl.u32 s4, $0x1F;
	s26 =	spop (v2sf)  }
0x45b: {  	s3 =	sadd.s32 s28, s25;
	s11 =	smul.u32 $0x51EB851F, s8;
	s29 =	spop (v2sf)  }
0x45c: {  	s12 =	smulhi.u32 $0x51EB851F, s24;
	s24 =	sshra.s32 s24, $0x1F;
	s9 =	spop (v2sf)  }
0x45d: {  	s8 =	sadd.s32 s17, s13;
	s17 =	smul.u32 $0x51EB851F, s24;
	s28 =	spop (v2sf)  }
0x45e: {  	s4 =	sshra.s32 s4, $0x5;
	s24 =	smulhi.u32 $0x51EB851F, s28;
	s23 =	sshra.s32 s28, $0x1F  }
0x45f: {  	s13 =	sshrl.u32 s1, $0x1F;
	s15 =	sadd.s32 s15, s30;
	s23 =	smul.u32 $0x51EB851F, s23  }
0x460: {  	s1 =	sshra.s32 s1, $0x5;
	s25 =	sadd.s32 s31, s5;
	s10 =	sadd.s32 s11, s10  }
0x461: {  	s21 =	smulhi.u32 $0x51EB851F, s26;
	s30 =	sshra.s32 s26, $0x1F;
	s5 =	sadd.s32 s23, s24  }
0x462: {  	s12 =	sadd.s32 s17, s12;
	s31 =	smul.u32 $0x51EB851F, s30;
	s24 =	sshra.s32 s5, $0x1F  }
0x463: {  	s17 =	sshrl.u32 s3, $0x1F;
	s26 =	sshrl.u32 s0, $0x1F;
	s30 =	sshra.s32 s15, $0x5;
	v3 =	vmov s24  }
0x464: {  	v59 =	vmov s22;
	s11 =	sadd.s32 s31, s21;
	s31 =	sshrl.u32 s15, $0x1F;
	s15 =	sshra.s32 s15, $0x1F;
	v3 =	vsel vm3, s30, v3  }
0x465: {  	v62 =	vmov s4;
	v4 =	vsel vm0, s20, v59;
	s0 =	sshra.s32 s0, $0x5;
	s20 =	smulhi.u32 $0x51EB851F, s29;
	s30 =	sshra.s32 s25, $0x5;
	v3 =	vsel vm9, s15, v3  }
0x466: {  	v4 =	vsel vm1, s13, v4;
	s29 =	sshra.s32 s29, $0x1F;
	v60 =	vmov s31;
	s24 =	sshrl.u32 s25, $0x1F;
	s25 =	sshra.s32 s25, $0x1F;
	v3 =	vsel vm0, s30, v3  }
0x467: {  	v4 =	vsel vm2, s26, v4;
	v5 =	vnsel vm3, $0x0, v60;
	s23 =	sshrl.u32 s8, $0x1F;
	s8 =	sshra.s32 s8, $0x5;
	s30 =	sshra.s32 s10, $0x5;
	v3 =	vsel vm10, s25, v3  }
0x468: {  	s28 =	sshrl.u32 s7, $0x1F;
	s31 =	sshrl.u32 s10, $0x1F;
	v61 =	vmov s23;
	v63 =	vmov s8;
	s10 =	sshra.s32 s10, $0x1F;
	v3 =	vsel vm1, s30, v3  }
0x469: {  	s21 =	sshrl.u32 s6, $0x1F;
	s23 =	sshrl.u32 s11, $0x1F;
	v6 =	vsel vm0, s28, v61;
	v5 =	vsel vm0, s24, v5;
	s25 =	sshra.s32 s12, $0x5;
	v3 =	vsel vm11, s10, v3  }
0x46a: {  	s28 =	sshra.s32 s12, $0x1F;
	v6 =	vsel vm1, s21, v6;
	s15 =	smul.u32 $0x51EB851F, s29;
	v5 =	vsel vm1, s31, v5;
	s31 =	sshrl.u32 s12, $0x1F;
	v3 =	vsel vm2, s25, v3  }
0x46b: {  	s29 =	smulhi.u32 $0x51EB851F, s9;
	s9 =	sshra.s32 s9, $0x1F;
	v6 =	vsel vm2, s17, v6;
	v5 =	vsel vm2, s31, v5;
	s30 =	sshra.s32 s11, $0x5;
	v3 =	vsel vm12, s28, v3  }
0x46c: {  	s9 =	smul.u32 $0x51EB851F, s9;
	v4 =	vcombine.low v6, v4;
	s31 =	sshra.s32 s11, $0x1F;
	v6 =	vsel vm0, s2, v62;
	s22 =	sadd.s32 s15, s20;
	v3 =	vsel vm4, s30, v3  }
0x46d: {  	s17 =	sshra.s32 s6, $0x5;
	v5 =	vsel vm4, s23, v5;
	v6 =	vsel vm1, s1, v6;
	s11 =	sshra.s32 s7, $0x5;
	s12 =	sshra.s32 s22, $0x5;
	v3 =	vsel vm13, s31, v3  }
0x46e: {  	s26 =	sshrl.u32 s22, $0x1F;
	s9 =	sadd.s32 s9, s29;
	s20 =	sshra.s32 s22, $0x1F;
	v6 =	vsel vm2, s0, v6;
	v7 =	vsel vm0, s11, v63;
	v3 =	vsel vm5, s12, v3  }
0x46f: {  	s21 =	sshra.s32 s3, $0x5;
	v5 =	vsel vm5, s26, v5;
	s29 =	sshrl.u32 s9, $0x1F;
	s22 =	sshra.s32 s9, $0x5;
	v7 =	vsel vm1, s17, v7;
	v3 =	vsel vm14, s20, v3  }
0x470: {  	s23 =	sshrl.u32 s5, $0x1F;
	s24 =	sshra.s32 s9, $0x1F;
	v5 =	vsel vm6, s29, v5;
	v7 =	vsel vm2, s21, v7;
	v3 =	vsel vm6, s22, v3  }
0x471: {  	s25 =	sshra.s32 s5, $0x5;
	v5 =	vsel vm7, s23, v5;
	v6 =	vcombine.low v7, v6;
	v3 =	vsel vm15, s24, v3  }
0x472: {  	v4 =	vperm.xlane v4, v0;
	v5 =	vperm.xlane v5, v1;
	v3 =	vsel vm7, s25, v3  }
0x473: {  	v6 =	vperm.xlane v6, v0;
	v3 =	vperm.xlane v3, v1;
	_ =	sdelay $0x1  }
0x474: {  	v4 =	vsel vm8, v5, v4;
	v3 =	vsel vm8, v3, v6  }
0x475: {  	v3 =	vadd.s32 v4, v3  }
0x476: {  	v3 =	vmul.u32 $0x64, v3;
	_ =	sdelay $0x1  }
0x477: {  	p0 =	seq.s32 s16, $0x0;
	v2 =	vsub.s32 v2, v3  }
0x478: {  	s0 =	simm.s32 @!p0 $0x2;
	[tilespmem:s19+$0x270] =	vst v2  }
.Ltmp5:
0x479: {  	s15 =	rddreg [dreg:$0x9];
	_ =	swait.ge @!p0 [sflag:s0], $0x4000;
	(pc) =	sbr.rel .LBB2_4-.Ltmp5, $4  }
0x47a: {  	s26 =	sshll.u32 s18, $0xE;
	[sflag:s0] =	ssyncset.done @!p0 $0x0  }
0x47b: {  	s29 =	sor.u32 $0x300, s26;
	s2 =	rddreg [dreg:$0x8];
	[sflag:s0] =	ssyncadd.s32 @!p0 $0xFFFFC000  }
0x47c: {  	s28 =	sor.u32 $0x200, s19;
	s31 =	simm.s32 $0x80;
	s30 =	rddreg [dreg:$0x0]  }
0x47d: {  	[tilespmem:s29], [sflag:$0x1] =	stream.indirect.gather [hbm4b:s30+s31], $0x80, s28, s31, $0xb8;
	[tilespmem:$0x8300] =	vst v63  }
.LBB2_6:
0x47e: {  	_ =	sfence.sel $0x180000  }
0x47f: {  	[bflag:$0x0] =	sbarrier.arrive $0xFFFF  }
0x480: {  	_ =	strace $0x90000047  }
0x481: {  	s0 =	stileid.u32;
	[bflag:$0x2] =	sbarrier.arrive $0xFFFF  }
0x482: {  	p0 =	sne.s32 s0, $0x0;
	s0 =	rddreg [dreg:$0x3]  }
0x483: {  	s0 =	sadd.s32 @!p0 $0x100000, s0  }
0x484: {  	[sflag:s0] =	ssyncadd.tile.s32 @!p0 $0x1;
	_ =	shalt  }
.Lfunc_end2:
_tile_overlayer_lowered:
.L_overlay_start_2:
0x485: {  	(tag) =	ssettag $0x2  }
0x486: {  	s0 =	rddreg [dreg:$0x0];
	s2 =	stileid.u32  }
0x487: {  	s1 =	rddreg [dreg:$0x1];
	p0 =	sne.s32 s2, $0x0  }
0x488: {  	s3 =	rddreg [dreg:$0x2];
	[bflag:$0x3] =	sbarrier.arrive $0xFFFF;
	s2 =	simm.s32 @!p0 $0x1C03  }
0x489: {  	[timem:s3], [sflag:s2] =	dma.local @!p0 [hbm:s0], s1  }
0x48a: {  	s0 =	simm.s32 @!p0 $0x3  }
0x48b: {  	_ =	swait.ge @!p0 [sflag:s0], s1  }
0x48c: {  	s1 =	ssub.s32 @!p0 $0x0, s1;
	[sflag:s0] =	ssyncset.done @!p0 $0x0  }
0x48d: {  	[sflag:s0] =	ssyncadd.s32 @!p0 s1  }
0x48e: {  	[bflag:$0x3] =	sbarrier.arrive $0xFFFF  }
0x48f: {  	_ =	shalt  }

</sc_bundles>
